<compile_context>
chip_gen: v7x
topology: tpu7x:2x2x1
jax: 0.10.2.dev20260603
libtpu: 0.0.44.dev20260713+nightly
codegen_flags: <defaults>
</compile_context>

<pallas_src>
import jax
import jax.numpy as jnp
from jax import lax
from jax.experimental import pallas as pl
from jax.experimental.pallas import tpu as pltpu
from jax.experimental.pallas import tpu_sc as plsc

B = 64
D = 768
DM = 2 * D
F = 32768
K = 32
A_END = int(F * 0.05)
B_END = 2 * int(F * 0.05)

NWORKERS = 32
ROWS_PER_W = B // NWORKERS
NCHUNK = 128
CHUNK = F // NCHUNK
NLANEVEC = CHUNK // 16
NGROUPVEC = NCHUNK // 16

FT = 2048



def _enc_body(x_ref, w_ref, b_ref, o_ref):
    acc = jnp.dot(x_ref[:, 0, :], w_ref[0],
                  preferred_element_type=jnp.float32)
    acc += jnp.dot(x_ref[:, 1, :], w_ref[1],
                   preferred_element_type=jnp.float32)
    o_ref[...] = jnp.maximum(acc + b_ref[...], 0.0)


def _encode(x, w_enc, b2):
    return pl.pallas_call(
        _enc_body,
        grid=(F // FT,),
        in_specs=[
            pl.BlockSpec((B, 2, D), lambda i: (0, 0, 0)),
            pl.BlockSpec((2, D, FT), lambda i: (0, 0, i)),
            pl.BlockSpec((1, FT), lambda i: (0, i)),
        ],
        out_specs=pl.BlockSpec((B, FT), lambda i: (0, i)),
        out_shape=jax.ShapeDtypeStruct((B, F), jnp.float32),
        compiler_params=pltpu.CompilerParams(
            dimension_semantics=("arbitrary",)),
    )(x, w_enc, b2)



def _iota16():
    return lax.iota(jnp.int32, 16)


def _splat_i(s):
    return jnp.broadcast_to(s, (16,)).astype(jnp.int32)


def _sstore(ref, i, val):
    mask0 = _iota16() == 0
    plsc.store_scatter(ref, [_splat_i(i)], jnp.broadcast_to(val, (16,)),
                       mask=mask0)


def _bfly_max(v):
    idx = _iota16()
    dnums = lax.GatherDimensionNumbers(
        offset_dims=(), collapsed_slice_dims=(0,), start_index_map=(0,))
    for sh in (8, 4, 2, 1):
        perm = lax.gather(v, (idx ^ sh)[:, None], dnums, (1,),
                          mode=lax.GatherScatterMode.PROMISE_IN_BOUNDS)
        v = jnp.maximum(v, perm)
    return v


def _sc_body(pre_hbm, wdec_hbm, bdec_hbm, feat_hbm, recon_hbm,
             rowbuf, fbuf, lmax, gmax, wrows, acc, bdecbuf,
             idxbuf, valbuf, sc0buf, sc1buf, fsem):
    lane = _iota16()
    wid = lax.axis_index("s") * 2 + lax.axis_index("c")

    pltpu.sync_copy(bdec_hbm, bdecbuf)

    def _zb(t, _):
        z = jnp.zeros((16,), jnp.float32)
        for u in range(8):
            fbuf[pl.ds(t * 128 + u * 16, 16)] = z
        return 0
    lax.fori_loop(0, F // 128, _zb, 0)

    def _row(row, _):
        r = wid * ROWS_PER_W + row
        pltpu.sync_copy(pre_hbm.at[r], rowbuf)

        def _p1(g, _):
            base = g * CHUNK
            acc_v = rowbuf[pl.ds(base, 16)]
            for j in range(1, NLANEVEC):
                acc_v = jnp.maximum(acc_v, rowbuf[pl.ds(base + j * 16, 16)])
            plsc.store_scatter(lmax, [lane * NCHUNK + g], acc_v)
            return 0
        lax.fori_loop(0, NCHUNK, _p1, 0)

        def _gm(gb, _):
            mv = lmax[pl.ds(gb * 16, 16)]
            for l in range(1, 16):
                mv = jnp.maximum(mv, lmax[pl.ds(l * NCHUNK + gb * 16, 16)])
            gmax[pl.ds(gb * 16, 16)] = mv
            return 0
        lax.fori_loop(0, NCHUNK // 16, _gm, 0)

        def _ext(k, _):
            gv = [gmax[pl.ds(h * 16, 16)] for h in range(NGROUPVEC)]
            mv = gv[0]
            for h in range(1, NGROUPVEC):
                mv = jnp.maximum(mv, gv[h])
            m = _bfly_max(mv)
            cand = jnp.full((16,), 2 * F, jnp.int32)
            for h in range(NGROUPVEC):
                fv = plsc.all_reduce_ffs(gv[h] == m)
                cand = jnp.minimum(
                    cand, jnp.where(fv < 16, h * 16 + fv, 2 * F))
            c = cand
            lv = plsc.load_gather(lmax, [lane * NCHUNK + c])
            l = plsc.all_reduce_ffs(lv == m)
            gidx = c * CHUNK + l + lane * 16
            col = plsc.load_gather(rowbuf, [gidx])
            j = plsc.all_reduce_ffs(col == m)
            e = c * CHUNK + j * 16 + l
            _sstore(idxbuf, k, e)
            _sstore(valbuf, k, m)
            s0 = jnp.where(jnp.logical_and(e >= A_END, e < B_END),
                           jnp.float32(0.0), m)
            s1 = jnp.where(e < A_END, jnp.float32(0.0), m)
            plsc.store_scatter(sc0buf, [k * 16 + lane],
                               jnp.broadcast_to(s0, (16,)))
            plsc.store_scatter(sc1buf, [k * 16 + lane],
                               jnp.broadcast_to(s1, (16,)))
            _sstore(rowbuf, e, jnp.float32(-1.0))
            col2 = jnp.where(lane == j, jnp.float32(-1.0), col)
            nl = _bfly_max(col2)
            _sstore(lmax, l * NCHUNK + c, nl)
            lv2 = jnp.where(lane == l, nl, lv)
            _sstore(gmax, c, _bfly_max(lv2))
            return 0
        lax.fori_loop(0, K, _ext, 0)

        pltpu.sync_copy(wdec_hbm.at[idxbuf], wrows)

        iv0 = idxbuf[pl.ds(0, 16)]
        iv1 = idxbuf[pl.ds(16, 16)]
        vv0 = valbuf[pl.ds(0, 16)]
        vv1 = valbuf[pl.ds(16, 16)]
        plsc.store_scatter(fbuf, [iv0], vv0)
        plsc.store_scatter(fbuf, [iv1], vv1)
        fcopy = pltpu.async_copy(fbuf, feat_hbm.at[r], fsem)

        for kb in range(K // 16):
            spl0 = [sc0buf[pl.ds((kb * 16 + i) * 16, 16)] for i in range(16)]
            spl1 = [sc1buf[pl.ds((kb * 16 + i) * 16, 16)] for i in range(16)]

            def _mk_tb(spl, mm):
                def _tb(t, _):
                    s = pl.ds(t * 16, 16)
                    av = bdecbuf[mm, s] if kb == 0 else acc[mm, s]
                    for i in range(16):
                        av = av + spl[i] * wrows[kb * 16 + i, mm, s]
                    acc[mm, s] = av
                    return 0
                return _tb
            lax.fori_loop(0, D // 16, _mk_tb(spl0, 0), 0)
            lax.fori_loop(0, D // 16, _mk_tb(spl1, 1), 0)

        pltpu.sync_copy(acc, recon_hbm.at[r])

        fcopy.wait()
        z = jnp.zeros((16,), jnp.float32)
        plsc.store_scatter(fbuf, [iv0], z)
        plsc.store_scatter(fbuf, [iv1], z)
        return 0

    lax.fori_loop(0, ROWS_PER_W, _row, 0)


def _sc_call(pre, wdec2, bdec2):
    mesh = plsc.VectorSubcoreMesh(core_axis_name="c", subcore_axis_name="s",
                                  num_cores=2, num_subcores=16)
    fn = pl.kernel(
        _sc_body,
        out_type=(
            jax.ShapeDtypeStruct((B, F), jnp.float32),
            jax.ShapeDtypeStruct((B, 2, D), jnp.float32),
        ),
        mesh=mesh,
        compiler_params=pltpu.CompilerParams(needs_layout_passes=False),
        scratch_types=[
            pltpu.VMEM((F,), jnp.float32),
            pltpu.VMEM((F,), jnp.float32),
            pltpu.VMEM((F // 16,), jnp.float32),
            pltpu.VMEM((NCHUNK,), jnp.float32),
            pltpu.VMEM((K, 2, D), jnp.float32),
            pltpu.VMEM((2, D), jnp.float32),
            pltpu.VMEM((2, D), jnp.float32),
            pltpu.VMEM((K,), jnp.int32),
            pltpu.VMEM((K,), jnp.float32),
            pltpu.VMEM((K * 16,), jnp.float32),
            pltpu.VMEM((K * 16,), jnp.float32),
            pltpu.SemaphoreType.DMA,
        ],
    )
    return fn(pre, wdec2, bdec2)


def kernel(x, W_enc, b_enc, W_dec, b_dec):
    pre = _encode(x, W_enc, b_enc.reshape(1, F))
    feats, recon = _sc_call(pre, W_dec, b_dec)
    return recon, feats

# --- scband reference (transcript-rebuilt; emitter-appended) ---
"""Pipeline reference for scband-dfccross-coder-76381698392291 (READ-ONLY COPY).

The authoritative reference and input builder live on the scoring server;
editing this copy changes nothing except your own understanding.
"""

import jax, jax.numpy as jnp
import numpy as np

B = 64
D = 768  # activation_dim
F = 32768  # dict_size
K = 32
NA = int(F * 0.05)
NB = int(F * 0.05)
A_END = NA
B_END = NA + NB


def _masks():
    enc_mask = jnp.ones((2, F), dtype=jnp.float32)
    enc_mask = enc_mask.at[1, :A_END].set(0.0)
    enc_mask = enc_mask.at[0, A_END:B_END].set(0.0)
    dec_mask = jnp.ones((F, 2), dtype=jnp.float32)
    dec_mask = dec_mask.at[:A_END, 1].set(0.0)
    dec_mask = dec_mask.at[A_END:B_END, 0].set(0.0)
    return enc_mask, dec_mask


def setup_inputs(seed: int = 0) -> dict:
    key = jax.random.key(seed)
    k1, k2, k3 = jax.random.split(key, 3)
    x = jax.random.normal(k1, (B, 2, D), dtype=jnp.float32)
    W_enc = jax.random.normal(k2, (2, D, F), dtype=jnp.float32) / np.sqrt(D)
    b_enc = jnp.zeros((F,), dtype=jnp.float32)
    W_dec = jax.random.normal(k3, (F, 2, D), dtype=jnp.float32) / np.sqrt(F)
    b_dec = jnp.zeros((2, D), dtype=jnp.float32)
    enc_mask, dec_mask = _masks()
    # _apply_masks() at init: zero forbidden weights
    W_enc = W_enc * enc_mask[:, None, :]
    W_dec = W_dec * dec_mask[:, :, None]
    return {"x": x, "W_enc": W_enc, "b_enc": b_enc, "W_dec": W_dec, "b_dec": b_dec}


def reference(x, W_enc, b_enc, W_dec, b_dec):
    _, dec_mask = _masks()
    # encode (no enc_mask applied during forward, matching the module)
    pre = jnp.einsum('bmd,mdf->bf', x, W_enc) + b_enc
    pre = jax.nn.relu(pre)
    topk_vals, topk_idx = jax.lax.top_k(pre, K)
    features = jnp.zeros_like(pre).at[jnp.arange(B)[:, None], topk_idx].set(topk_vals)
    # decode with dec_mask enforced
    W = W_dec * dec_mask[:, :, None]
    recon = jnp.einsum('bf,fmd->bmd', features, W) + b_dec
    return (recon, features)

if __name__ == "__main__":
    import jax
    _d = setup_inputs()
    print(jax.jit(kernel)(*tuple(_d.values())))

</pallas_src>

<mosaic_0001>
#map = affine_map<(d0, d1) -> (0, 0)>
#map1 = affine_map<(d0, d1) -> (0, 0, 0)>
module attributes {stable_mosaic.version = 14 : i64} {
  func.func @_sc_body(%arg0: i32, %arg1: i32, %arg2: memref<64x32768xf32, #tpu.memory_space<hbm>>, %arg3: memref<32768x2x768xf32, #tpu.memory_space<hbm>>, %arg4: memref<2x768xf32, #tpu.memory_space<hbm>>, %arg5: memref<64x32768xf32, #tpu.memory_space<hbm>>, %arg6: memref<64x2x768xf32, #tpu.memory_space<hbm>>, %arg7: memref<32768xf32, #tpu.memory_space<vmem>>, %arg8: memref<32768xf32, #tpu.memory_space<vmem>>, %arg9: memref<2048xf32, #tpu.memory_space<vmem>>, %arg10: memref<128xf32, #tpu.memory_space<vmem>>, %arg11: memref<32x2x768xf32, #tpu.memory_space<vmem>>, %arg12: memref<2x768xf32, #tpu.memory_space<vmem>>, %arg13: memref<2x768xf32, #tpu.memory_space<vmem>>, %arg14: memref<32xi32, #tpu.memory_space<vmem>>, %arg15: memref<32xf32, #tpu.memory_space<vmem>>, %arg16: memref<512xf32, #tpu.memory_space<vmem>>, %arg17: memref<512xf32, #tpu.memory_space<vmem>>, %arg18: memref<!tpu.dma_semaphore, #tpu.memory_space<semaphore_mem>>) attributes {dimension_semantics = [#tpu.dimension_semantics<core_parallel>, #tpu.dimension_semantics<subcore_parallel>], iteration_bounds = array<i64: 2, 16>, scalar_prefetch = 0 : i64, scratch_operands = 12 : i64, tpu.core_type = #tpu.core_type<sc_vector_subcore>, window_params = [{transform_indices = #map}, {transform_indices = #map1}, {transform_indices = #map}, {transform_indices = #map}, {transform_indices = #map1}]} {
    %iota3A = tpu.iota {dimensions = array<i32: 0>} : vector<16xi32>
    %mul3A = arith.constant 2 : i32
    %mul3A_0 = arith.muli %arg1, %mul3A : i32
    %add3A = arith.addi %mul3A_0, %arg0 : i32
    "tpu.region"() ({
      %run_scoped3A = tpu.sem_alloc : memref<!tpu.dma_semaphore, #tpu.memory_space<semaphore_mem>>
      tpu.enqueue_dma source(%arg4 : memref<2x768xf32, #tpu.memory_space<hbm>>) target(%arg13 : memref<2x768xf32, #tpu.memory_space<vmem>>) target_semaphore(%run_scoped3A : memref<!tpu.dma_semaphore, #tpu.memory_space<semaphore_mem>>)
      tpu.wait_dma2 semaphore(%run_scoped3A : memref<!tpu.dma_semaphore, #tpu.memory_space<semaphore_mem>>) src(%arg4 : memref<2x768xf32, #tpu.memory_space<hbm>>) dst(%arg13 : memref<2x768xf32, #tpu.memory_space<vmem>>)
      tpu.yield
    }) : () -> ()
    %scan3A = arith.constant 0 : i32
    %scan3A_1 = arith.constant 0 : i32
    %scan3A_2 = arith.constant 256 : i32
    %scan3A_3 = arith.addi %scan3A_1, %scan3A_2 : i32
    %scan3A_4 = arith.constant 1 : i32
    %scan3A_5 = scf.for %scan3A_14 = %scan3A_1 to %scan3A_3 step %scan3A_4 iter_args(%scan3A_15 = %scan3A) -> (i32)  : i32 {
      %broadcast_in_dim3A = arith.constant 0.000000e+00 : f32
      %broadcast_in_dim3A_16 = vector.broadcast %broadcast_in_dim3A : f32 to vector<16xf32>
      %mul3A_17 = arith.constant 128 : i32
      %mul3A_18 = arith.muli %scan3A_14, %mul3A_17 : i32
      %add3A_19 = arith.constant 0 : i32
      %add3A_20 = arith.addi %mul3A_18, %add3A_19 : i32
      %swap3A = arith.index_cast %add3A_20 : i32 to index
      %swap3A_21 = tpu.vector_load %arg8[%swap3A] {strides = array<i32>} : memref<32768xf32, #tpu.memory_space<vmem>>, vector<16xf32>,
      tpu.vector_store %arg8[%swap3A], %broadcast_in_dim3A_16 {strides = array<i32>} : memref<32768xf32, #tpu.memory_space<vmem>>, vector<16xf32>,
      %mul3A_22 = arith.constant 128 : i32
      %mul3A_23 = arith.muli %scan3A_14, %mul3A_22 : i32
      %add3A_24 = arith.constant 16 : i32
      %add3A_25 = arith.addi %mul3A_23, %add3A_24 : i32
      %swap3A_26 = arith.index_cast %add3A_25 : i32 to index
      %swap3A_27 = tpu.vector_load %arg8[%swap3A_26] {strides = array<i32>} : memref<32768xf32, #tpu.memory_space<vmem>>, vector<16xf32>,
      tpu.vector_store %arg8[%swap3A_26], %broadcast_in_dim3A_16 {strides = array<i32>} : memref<32768xf32, #tpu.memory_space<vmem>>, vector<16xf32>,
      %mul3A_28 = arith.constant 128 : i32
      %mul3A_29 = arith.muli %scan3A_14, %mul3A_28 : i32
      %add3A_30 = arith.constant 32 : i32
      %add3A_31 = arith.addi %mul3A_29, %add3A_30 : i32
      %swap3A_32 = arith.index_cast %add3A_31 : i32 to index
      %swap3A_33 = tpu.vector_load %arg8[%swap3A_32] {strides = array<i32>} : memref<32768xf32, #tpu.memory_space<vmem>>, vector<16xf32>,
      tpu.vector_store %arg8[%swap3A_32], %broadcast_in_dim3A_16 {strides = array<i32>} : memref<32768xf32, #tpu.memory_space<vmem>>, vector<16xf32>,
      %mul3A_34 = arith.constant 128 : i32
      %mul3A_35 = arith.muli %scan3A_14, %mul3A_34 : i32
      %add3A_36 = arith.constant 48 : i32
      %add3A_37 = arith.addi %mul3A_35, %add3A_36 : i32
      %swap3A_38 = arith.index_cast %add3A_37 : i32 to index
      %swap3A_39 = tpu.vector_load %arg8[%swap3A_38] {strides = array<i32>} : memref<32768xf32, #tpu.memory_space<vmem>>, vector<16xf32>,
      tpu.vector_store %arg8[%swap3A_38], %broadcast_in_dim3A_16 {strides = array<i32>} : memref<32768xf32, #tpu.memory_space<vmem>>, vector<16xf32>,
      %mul3A_40 = arith.constant 128 : i32
      %mul3A_41 = arith.muli %scan3A_14, %mul3A_40 : i32
      %add3A_42 = arith.constant 64 : i32
      %add3A_43 = arith.addi %mul3A_41, %add3A_42 : i32
      %swap3A_44 = arith.index_cast %add3A_43 : i32 to index
      %swap3A_45 = tpu.vector_load %arg8[%swap3A_44] {strides = array<i32>} : memref<32768xf32, #tpu.memory_space<vmem>>, vector<16xf32>,
      tpu.vector_store %arg8[%swap3A_44], %broadcast_in_dim3A_16 {strides = array<i32>} : memref<32768xf32, #tpu.memory_space<vmem>>, vector<16xf32>,
      %mul3A_46 = arith.constant 128 : i32
      %mul3A_47 = arith.muli %scan3A_14, %mul3A_46 : i32
      %add3A_48 = arith.constant 80 : i32
      %add3A_49 = arith.addi %mul3A_47, %add3A_48 : i32
      %swap3A_50 = arith.index_cast %add3A_49 : i32 to index
      %swap3A_51 = tpu.vector_load %arg8[%swap3A_50] {strides = array<i32>} : memref<32768xf32, #tpu.memory_space<vmem>>, vector<16xf32>,
      tpu.vector_store %arg8[%swap3A_50], %broadcast_in_dim3A_16 {strides = array<i32>} : memref<32768xf32, #tpu.memory_space<vmem>>, vector<16xf32>,
      %mul3A_52 = arith.constant 128 : i32
      %mul3A_53 = arith.muli %scan3A_14, %mul3A_52 : i32
      %add3A_54 = arith.constant 96 : i32
      %add3A_55 = arith.addi %mul3A_53, %add3A_54 : i32
      %swap3A_56 = arith.index_cast %add3A_55 : i32 to index
      %swap3A_57 = tpu.vector_load %arg8[%swap3A_56] {strides = array<i32>} : memref<32768xf32, #tpu.memory_space<vmem>>, vector<16xf32>,
      tpu.vector_store %arg8[%swap3A_56], %broadcast_in_dim3A_16 {strides = array<i32>} : memref<32768xf32, #tpu.memory_space<vmem>>, vector<16xf32>,
      %mul3A_58 = arith.constant 128 : i32
      %mul3A_59 = arith.muli %scan3A_14, %mul3A_58 : i32
      %add3A_60 = arith.constant 112 : i32
      %add3A_61 = arith.addi %mul3A_59, %add3A_60 : i32
      %swap3A_62 = arith.index_cast %add3A_61 : i32 to index
      %swap3A_63 = tpu.vector_load %arg8[%swap3A_62] {strides = array<i32>} : memref<32768xf32, #tpu.memory_space<vmem>>, vector<16xf32>,
      tpu.vector_store %arg8[%swap3A_62], %broadcast_in_dim3A_16 {strides = array<i32>} : memref<32768xf32, #tpu.memory_space<vmem>>, vector<16xf32>,
      %scan3A_64 = arith.constant 0 : i32
      scf.yield %scan3A_64 : i32
    }
    %scan3A_6 = arith.constant 256 : i32
    %scan3A_7 = arith.constant 0 : i32
    %scan3A_8 = arith.constant 0 : i32
    %scan3A_9 = arith.constant 2 : i32
    %scan3A_10 = arith.addi %scan3A_8, %scan3A_9 : i32
    %scan3A_11 = arith.constant 1 : i32
    %scan3A_12 = scf.for %scan3A_14 = %scan3A_8 to %scan3A_10 step %scan3A_11 iter_args(%scan3A_15 = %scan3A_7) -> (i32)  : i32 {
      %mul3A_16 = arith.constant 2 : i32
      %mul3A_17 = arith.muli %add3A, %mul3A_16 : i32
      %add3A_18 = arith.addi %mul3A_17, %scan3A_14 : i32
      "tpu.region"() ({
        %run_scoped3A = tpu.sem_alloc : memref<!tpu.dma_semaphore, #tpu.memory_space<semaphore_mem>>
        %dma_start3A_215 = arith.constant 0 : i32
        %dma_start3A_216 = tpu.memref_slice %arg2[%add3A_18, %dma_start3A_215] : memref<64x32768xf32, #tpu.memory_space<hbm>> -> memref<1x32768xf32, #tpu.memory_space<hbm>>
        %dma_start3A_217 = tpu.memref_squeeze %dma_start3A_216 : memref<1x32768xf32, #tpu.memory_space<hbm>> -> memref<32768xf32, #tpu.memory_space<hbm>>
        %dma_start3A_218 = arith.constant 0 : i32
        %dma_start3A_219 = tpu.memref_slice %arg2[%add3A_18, %dma_start3A_218] : memref<64x32768xf32, #tpu.memory_space<hbm>> -> memref<1x32768xf32, #tpu.memory_space<hbm>>
        %dma_start3A_220 = tpu.memref_squeeze %dma_start3A_219 : memref<1x32768xf32, #tpu.memory_space<hbm>> -> memref<32768xf32, #tpu.memory_space<hbm>>
        tpu.enqueue_dma source(%dma_start3A_220 : memref<32768xf32, #tpu.memory_space<hbm>>) target(%arg7 : memref<32768xf32, #tpu.memory_space<vmem>>) target_semaphore(%run_scoped3A : memref<!tpu.dma_semaphore, #tpu.memory_space<semaphore_mem>>)
        %dma_wait3A_221 = arith.constant 0 : i32
        %dma_wait3A_222 = tpu.memref_slice %arg2[%add3A_18, %dma_wait3A_221] : memref<64x32768xf32, #tpu.memory_space<hbm>> -> memref<1x32768xf32, #tpu.memory_space<hbm>>
        %dma_wait3A_223 = tpu.memref_squeeze %dma_wait3A_222 : memref<1x32768xf32, #tpu.memory_space<hbm>> -> memref<32768xf32, #tpu.memory_space<hbm>>
        %dma_wait3A_224 = arith.constant 0 : i32
        %dma_wait3A_225 = tpu.memref_slice %arg2[%add3A_18, %dma_wait3A_224] : memref<64x32768xf32, #tpu.memory_space<hbm>> -> memref<1x32768xf32, #tpu.memory_space<hbm>>
        %dma_wait3A_226 = tpu.memref_squeeze %dma_wait3A_225 : memref<1x32768xf32, #tpu.memory_space<hbm>> -> memref<32768xf32, #tpu.memory_space<hbm>>
        tpu.wait_dma2 semaphore(%run_scoped3A : memref<!tpu.dma_semaphore, #tpu.memory_space<semaphore_mem>>) src(%dma_wait3A_226 : memref<32768xf32, #tpu.memory_space<hbm>>) dst(%arg7 : memref<32768xf32, #tpu.memory_space<vmem>>)
        tpu.yield
      }) : () -> ()
      %scan3A_19 = arith.constant 0 : i32
      %scan3A_20 = arith.constant 0 : i32
      %scan3A_21 = arith.constant 128 : i32
      %scan3A_22 = arith.addi %scan3A_20, %scan3A_21 : i32
      %scan3A_23 = arith.constant 1 : i32
      %scan3A_24 = scf.for %scan3A_215 = %scan3A_20 to %scan3A_22 step %scan3A_23 iter_args(%scan3A_216 = %scan3A_19) -> (i32)  : i32 {
        %mul3A_217 = arith.constant 256 : i32
        %mul3A_218 = arith.muli %scan3A_215, %mul3A_217 : i32
        %get3A_219 = arith.index_cast %mul3A_218 : i32 to index
        %get3A_220 = tpu.vector_load %arg7[%get3A_219] {strides = array<i32>} : memref<32768xf32, #tpu.memory_space<vmem>>, vector<16xf32>,
        %add3A_221 = arith.constant 16 : i32
        %add3A_222 = arith.addi %mul3A_218, %add3A_221 : i32
        %get3A_223 = arith.index_cast %add3A_222 : i32 to index
        %get3A_224 = tpu.vector_load %arg7[%get3A_223] {strides = array<i32>} : memref<32768xf32, #tpu.memory_space<vmem>>, vector<16xf32>,
        %max3A = arith.maximumf %get3A_220, %get3A_224 : vector<16xf32>
        %add3A_225 = arith.constant 32 : i32
        %add3A_226 = arith.addi %mul3A_218, %add3A_225 : i32
        %get3A_227 = arith.index_cast %add3A_226 : i32 to index
        %get3A_228 = tpu.vector_load %arg7[%get3A_227] {strides = array<i32>} : memref<32768xf32, #tpu.memory_space<vmem>>, vector<16xf32>,
        %max3A_229 = arith.maximumf %max3A, %get3A_228 : vector<16xf32>
        %add3A_230 = arith.constant 48 : i32
        %add3A_231 = arith.addi %mul3A_218, %add3A_230 : i32
        %get3A_232 = arith.index_cast %add3A_231 : i32 to index
        %get3A_233 = tpu.vector_load %arg7[%get3A_232] {strides = array<i32>} : memref<32768xf32, #tpu.memory_space<vmem>>, vector<16xf32>,
        %max3A_234 = arith.maximumf %max3A_229, %get3A_233 : vector<16xf32>
        %add3A_235 = arith.constant 64 : i32
        %add3A_236 = arith.addi %mul3A_218, %add3A_235 : i32
        %get3A_237 = arith.index_cast %add3A_236 : i32 to index
        %get3A_238 = tpu.vector_load %arg7[%get3A_237] {strides = array<i32>} : memref<32768xf32, #tpu.memory_space<vmem>>, vector<16xf32>,
        %max3A_239 = arith.maximumf %max3A_234, %get3A_238 : vector<16xf32>
        %add3A_240 = arith.constant 80 : i32
        %add3A_241 = arith.addi %mul3A_218, %add3A_240 : i32
        %get3A_242 = arith.index_cast %add3A_241 : i32 to index
        %get3A_243 = tpu.vector_load %arg7[%get3A_242] {strides = array<i32>} : memref<32768xf32, #tpu.memory_space<vmem>>, vector<16xf32>,
        %max3A_244 = arith.maximumf %max3A_239, %get3A_243 : vector<16xf32>
        %add3A_245 = arith.constant 96 : i32
        %add3A_246 = arith.addi %mul3A_218, %add3A_245 : i32
        %get3A_247 = arith.index_cast %add3A_246 : i32 to index
        %get3A_248 = tpu.vector_load %arg7[%get3A_247] {strides = array<i32>} : memref<32768xf32, #tpu.memory_space<vmem>>, vector<16xf32>,
        %max3A_249 = arith.maximumf %max3A_244, %get3A_248 : vector<16xf32>
        %add3A_250 = arith.constant 112 : i32
        %add3A_251 = arith.addi %mul3A_218, %add3A_250 : i32
        %get3A_252 = arith.index_cast %add3A_251 : i32 to index
        %get3A_253 = tpu.vector_load %arg7[%get3A_252] {strides = array<i32>} : memref<32768xf32, #tpu.memory_space<vmem>>, vector<16xf32>,
        %max3A_254 = arith.maximumf %max3A_249, %get3A_253 : vector<16xf32>
        %add3A_255 = arith.constant 128 : i32
        %add3A_256 = arith.addi %mul3A_218, %add3A_255 : i32
        %get3A_257 = arith.index_cast %add3A_256 : i32 to index
        %get3A_258 = tpu.vector_load %arg7[%get3A_257] {strides = array<i32>} : memref<32768xf32, #tpu.memory_space<vmem>>, vector<16xf32>,
        %max3A_259 = arith.maximumf %max3A_254, %get3A_258 : vector<16xf32>
        %add3A_260 = arith.constant 144 : i32
        %add3A_261 = arith.addi %mul3A_218, %add3A_260 : i32
        %get3A_262 = arith.index_cast %add3A_261 : i32 to index
        %get3A_263 = tpu.vector_load %arg7[%get3A_262] {strides = array<i32>} : memref<32768xf32, #tpu.memory_space<vmem>>, vector<16xf32>,
        %max3A_264 = arith.maximumf %max3A_259, %get3A_263 : vector<16xf32>
        %add3A_265 = arith.constant 160 : i32
        %add3A_266 = arith.addi %mul3A_218, %add3A_265 : i32
        %get3A_267 = arith.index_cast %add3A_266 : i32 to index
        %get3A_268 = tpu.vector_load %arg7[%get3A_267] {strides = array<i32>} : memref<32768xf32, #tpu.memory_space<vmem>>, vector<16xf32>,
        %max3A_269 = arith.maximumf %max3A_264, %get3A_268 : vector<16xf32>
        %add3A_270 = arith.constant 176 : i32
        %add3A_271 = arith.addi %mul3A_218, %add3A_270 : i32
        %get3A_272 = arith.index_cast %add3A_271 : i32 to index
        %get3A_273 = tpu.vector_load %arg7[%get3A_272] {strides = array<i32>} : memref<32768xf32, #tpu.memory_space<vmem>>, vector<16xf32>,
        %max3A_274 = arith.maximumf %max3A_269, %get3A_273 : vector<16xf32>
        %add3A_275 = arith.constant 192 : i32
        %add3A_276 = arith.addi %mul3A_218, %add3A_275 : i32
        %get3A_277 = arith.index_cast %add3A_276 : i32 to index
        %get3A_278 = tpu.vector_load %arg7[%get3A_277] {strides = array<i32>} : memref<32768xf32, #tpu.memory_space<vmem>>, vector<16xf32>,
        %max3A_279 = arith.maximumf %max3A_274, %get3A_278 : vector<16xf32>
        %add3A_280 = arith.constant 208 : i32
        %add3A_281 = arith.addi %mul3A_218, %add3A_280 : i32
        %get3A_282 = arith.index_cast %add3A_281 : i32 to index
        %get3A_283 = tpu.vector_load %arg7[%get3A_282] {strides = array<i32>} : memref<32768xf32, #tpu.memory_space<vmem>>, vector<16xf32>,
        %max3A_284 = arith.maximumf %max3A_279, %get3A_283 : vector<16xf32>
        %add3A_285 = arith.constant 224 : i32
        %add3A_286 = arith.addi %mul3A_218, %add3A_285 : i32
        %get3A_287 = arith.index_cast %add3A_286 : i32 to index
        %get3A_288 = tpu.vector_load %arg7[%get3A_287] {strides = array<i32>} : memref<32768xf32, #tpu.memory_space<vmem>>, vector<16xf32>,
        %max3A_289 = arith.maximumf %max3A_284, %get3A_288 : vector<16xf32>
        %add3A_290 = arith.constant 240 : i32
        %add3A_291 = arith.addi %mul3A_218, %add3A_290 : i32
        %get3A_292 = arith.index_cast %add3A_291 : i32 to index
        %get3A_293 = tpu.vector_load %arg7[%get3A_292] {strides = array<i32>} : memref<32768xf32, #tpu.memory_space<vmem>>, vector<16xf32>,
        %max3A_294 = arith.maximumf %max3A_289, %get3A_293 : vector<16xf32>
        %mul3A_295 = arith.constant 128 : i32
        %mul3A_296 = vector.broadcast %mul3A_295 : i32 to vector<16xi32>
        %mul3A_297 = arith.muli %iota3A, %mul3A_296 : vector<16xi32>
        %add3A_298 = vector.broadcast %scan3A_215 : i32 to vector<16xi32>
        %add3A_299 = arith.addi %mul3A_297, %add3A_298 : vector<16xi32>
        tpu.vector_store_idx %arg9[%add3A_299], %max3A_294 : memref<2048xf32, #tpu.memory_space<vmem>>[vector<16xi32>], vector<16xf32>,
        %scan3A_300 = arith.constant 0 : i32
        scf.yield %scan3A_300 : i32
      }
      %scan3A_25 = arith.constant 128 : i32
      %scan3A_26 = arith.constant 0 : i32
      %scan3A_27 = arith.constant 0 : i32
      %scan3A_28 = arith.constant 8 : i32
      %scan3A_29 = arith.addi %scan3A_27, %scan3A_28 : i32
      %scan3A_30 = arith.constant 1 : i32
      %scan3A_31 = scf.for %scan3A_215 = %scan3A_27 to %scan3A_29 step %scan3A_30 iter_args(%scan3A_216 = %scan3A_26) -> (i32)  : i32 {
        %mul3A_217 = arith.constant 16 : i32
        %mul3A_218 = arith.muli %scan3A_215, %mul3A_217 : i32
        %get3A_219 = arith.index_cast %mul3A_218 : i32 to index
        %get3A_220 = tpu.vector_load %arg9[%get3A_219] {strides = array<i32>} : memref<2048xf32, #tpu.memory_space<vmem>>, vector<16xf32>,
        %mul3A_221 = arith.constant 16 : i32
        %mul3A_222 = arith.muli %scan3A_215, %mul3A_221 : i32
        %add3A_223 = arith.constant 128 : i32
        %add3A_224 = arith.addi %add3A_223, %mul3A_222 : i32
        %get3A_225 = arith.index_cast %add3A_224 : i32 to index
        %get3A_226 = tpu.vector_load %arg9[%get3A_225] {strides = array<i32>} : memref<2048xf32, #tpu.memory_space<vmem>>, vector<16xf32>,
        %max3A = arith.maximumf %get3A_220, %get3A_226 : vector<16xf32>
        %mul3A_227 = arith.constant 16 : i32
        %mul3A_228 = arith.muli %scan3A_215, %mul3A_227 : i32
        %add3A_229 = arith.constant 256 : i32
        %add3A_230 = arith.addi %add3A_229, %mul3A_228 : i32
        %get3A_231 = arith.index_cast %add3A_230 : i32 to index
        %get3A_232 = tpu.vector_load %arg9[%get3A_231] {strides = array<i32>} : memref<2048xf32, #tpu.memory_space<vmem>>, vector<16xf32>,
        %max3A_233 = arith.maximumf %max3A, %get3A_232 : vector<16xf32>
        %mul3A_234 = arith.constant 16 : i32
        %mul3A_235 = arith.muli %scan3A_215, %mul3A_234 : i32
        %add3A_236 = arith.constant 384 : i32
        %add3A_237 = arith.addi %add3A_236, %mul3A_235 : i32
        %get3A_238 = arith.index_cast %add3A_237 : i32 to index
        %get3A_239 = tpu.vector_load %arg9[%get3A_238] {strides = array<i32>} : memref<2048xf32, #tpu.memory_space<vmem>>, vector<16xf32>,
        %max3A_240 = arith.maximumf %max3A_233, %get3A_239 : vector<16xf32>
        %mul3A_241 = arith.constant 16 : i32
        %mul3A_242 = arith.muli %scan3A_215, %mul3A_241 : i32
        %add3A_243 = arith.constant 512 : i32
        %add3A_244 = arith.addi %add3A_243, %mul3A_242 : i32
        %get3A_245 = arith.index_cast %add3A_244 : i32 to index
        %get3A_246 = tpu.vector_load %arg9[%get3A_245] {strides = array<i32>} : memref<2048xf32, #tpu.memory_space<vmem>>, vector<16xf32>,
        %max3A_247 = arith.maximumf %max3A_240, %get3A_246 : vector<16xf32>
        %mul3A_248 = arith.constant 16 : i32
        %mul3A_249 = arith.muli %scan3A_215, %mul3A_248 : i32
        %add3A_250 = arith.constant 640 : i32
        %add3A_251 = arith.addi %add3A_250, %mul3A_249 : i32
        %get3A_252 = arith.index_cast %add3A_251 : i32 to index
        %get3A_253 = tpu.vector_load %arg9[%get3A_252] {strides = array<i32>} : memref<2048xf32, #tpu.memory_space<vmem>>, vector<16xf32>,
        %max3A_254 = arith.maximumf %max3A_247, %get3A_253 : vector<16xf32>
        %mul3A_255 = arith.constant 16 : i32
        %mul3A_256 = arith.muli %scan3A_215, %mul3A_255 : i32
        %add3A_257 = arith.constant 768 : i32
        %add3A_258 = arith.addi %add3A_257, %mul3A_256 : i32
        %get3A_259 = arith.index_cast %add3A_258 : i32 to index
        %get3A_260 = tpu.vector_load %arg9[%get3A_259] {strides = array<i32>} : memref<2048xf32, #tpu.memory_space<vmem>>, vector<16xf32>,
        %max3A_261 = arith.maximumf %max3A_254, %get3A_260 : vector<16xf32>
        %mul3A_262 = arith.constant 16 : i32
        %mul3A_263 = arith.muli %scan3A_215, %mul3A_262 : i32
        %add3A_264 = arith.constant 896 : i32
        %add3A_265 = arith.addi %add3A_264, %mul3A_263 : i32
        %get3A_266 = arith.index_cast %add3A_265 : i32 to index
        %get3A_267 = tpu.vector_load %arg9[%get3A_266] {strides = array<i32>} : memref<2048xf32, #tpu.memory_space<vmem>>, vector<16xf32>,
        %max3A_268 = arith.maximumf %max3A_261, %get3A_267 : vector<16xf32>
        %mul3A_269 = arith.constant 16 : i32
        %mul3A_270 = arith.muli %scan3A_215, %mul3A_269 : i32
        %add3A_271 = arith.constant 1024 : i32
        %add3A_272 = arith.addi %add3A_271, %mul3A_270 : i32
        %get3A_273 = arith.index_cast %add3A_272 : i32 to index
        %get3A_274 = tpu.vector_load %arg9[%get3A_273] {strides = array<i32>} : memref<2048xf32, #tpu.memory_space<vmem>>, vector<16xf32>,
        %max3A_275 = arith.maximumf %max3A_268, %get3A_274 : vector<16xf32>
        %mul3A_276 = arith.constant 16 : i32
        %mul3A_277 = arith.muli %scan3A_215, %mul3A_276 : i32
        %add3A_278 = arith.constant 1152 : i32
        %add3A_279 = arith.addi %add3A_278, %mul3A_277 : i32
        %get3A_280 = arith.index_cast %add3A_279 : i32 to index
        %get3A_281 = tpu.vector_load %arg9[%get3A_280] {strides = array<i32>} : memref<2048xf32, #tpu.memory_space<vmem>>, vector<16xf32>,
        %max3A_282 = arith.maximumf %max3A_275, %get3A_281 : vector<16xf32>
        %mul3A_283 = arith.constant 16 : i32
        %mul3A_284 = arith.muli %scan3A_215, %mul3A_283 : i32
        %add3A_285 = arith.constant 1280 : i32
        %add3A_286 = arith.addi %add3A_285, %mul3A_284 : i32
        %get3A_287 = arith.index_cast %add3A_286 : i32 to index
        %get3A_288 = tpu.vector_load %arg9[%get3A_287] {strides = array<i32>} : memref<2048xf32, #tpu.memory_space<vmem>>, vector<16xf32>,
        %max3A_289 = arith.maximumf %max3A_282, %get3A_288 : vector<16xf32>
        %mul3A_290 = arith.constant 16 : i32
        %mul3A_291 = arith.muli %scan3A_215, %mul3A_290 : i32
        %add3A_292 = arith.constant 1408 : i32
        %add3A_293 = arith.addi %add3A_292, %mul3A_291 : i32
        %get3A_294 = arith.index_cast %add3A_293 : i32 to index
        %get3A_295 = tpu.vector_load %arg9[%get3A_294] {strides = array<i32>} : memref<2048xf32, #tpu.memory_space<vmem>>, vector<16xf32>,
        %max3A_296 = arith.maximumf %max3A_289, %get3A_295 : vector<16xf32>
        %mul3A_297 = arith.constant 16 : i32
        %mul3A_298 = arith.muli %scan3A_215, %mul3A_297 : i32
        %add3A_299 = arith.constant 1536 : i32
        %add3A_300 = arith.addi %add3A_299, %mul3A_298 : i32
        %get3A_301 = arith.index_cast %add3A_300 : i32 to index
        %get3A_302 = tpu.vector_load %arg9[%get3A_301] {strides = array<i32>} : memref<2048xf32, #tpu.memory_space<vmem>>, vector<16xf32>,
        %max3A_303 = arith.maximumf %max3A_296, %get3A_302 : vector<16xf32>
        %mul3A_304 = arith.constant 16 : i32
        %mul3A_305 = arith.muli %scan3A_215, %mul3A_304 : i32
        %add3A_306 = arith.constant 1664 : i32
        %add3A_307 = arith.addi %add3A_306, %mul3A_305 : i32
        %get3A_308 = arith.index_cast %add3A_307 : i32 to index
        %get3A_309 = tpu.vector_load %arg9[%get3A_308] {strides = array<i32>} : memref<2048xf32, #tpu.memory_space<vmem>>, vector<16xf32>,
        %max3A_310 = arith.maximumf %max3A_303, %get3A_309 : vector<16xf32>
        %mul3A_311 = arith.constant 16 : i32
        %mul3A_312 = arith.muli %scan3A_215, %mul3A_311 : i32
        %add3A_313 = arith.constant 1792 : i32
        %add3A_314 = arith.addi %add3A_313, %mul3A_312 : i32
        %get3A_315 = arith.index_cast %add3A_314 : i32 to index
        %get3A_316 = tpu.vector_load %arg9[%get3A_315] {strides = array<i32>} : memref<2048xf32, #tpu.memory_space<vmem>>, vector<16xf32>,
        %max3A_317 = arith.maximumf %max3A_310, %get3A_316 : vector<16xf32>
        %mul3A_318 = arith.constant 16 : i32
        %mul3A_319 = arith.muli %scan3A_215, %mul3A_318 : i32
        %add3A_320 = arith.constant 1920 : i32
        %add3A_321 = arith.addi %add3A_320, %mul3A_319 : i32
        %get3A_322 = arith.index_cast %add3A_321 : i32 to index
        %get3A_323 = tpu.vector_load %arg9[%get3A_322] {strides = array<i32>} : memref<2048xf32, #tpu.memory_space<vmem>>, vector<16xf32>,
        %max3A_324 = arith.maximumf %max3A_317, %get3A_323 : vector<16xf32>
        %mul3A_325 = arith.constant 16 : i32
        %mul3A_326 = arith.muli %scan3A_215, %mul3A_325 : i32
        %swap3A = arith.index_cast %mul3A_326 : i32 to index
        %swap3A_327 = tpu.vector_load %arg10[%swap3A] {strides = array<i32>} : memref<128xf32, #tpu.memory_space<vmem>>, vector<16xf32>,
        tpu.vector_store %arg10[%swap3A], %max3A_324 {strides = array<i32>} : memref<128xf32, #tpu.memory_space<vmem>>, vector<16xf32>,
        %scan3A_328 = arith.constant 0 : i32
        scf.yield %scan3A_328 : i32
      }
      %scan3A_32 = arith.constant 8 : i32
      %scan3A_33 = arith.constant 0 : i32
      %scan3A_34 = arith.constant 0 : i32
      %scan3A_35 = arith.constant 32 : i32
      %scan3A_36 = arith.addi %scan3A_34, %scan3A_35 : i32
      %scan3A_37 = arith.constant 1 : i32
      %scan3A_38 = scf.for %scan3A_215 = %scan3A_34 to %scan3A_36 step %scan3A_37 iter_args(%scan3A_216 = %scan3A_33) -> (i32)  : i32 {
        %get3A_217 = arith.constant 0 : index
        %get3A_218 = tpu.vector_load %arg10[%get3A_217] {strides = array<i32>} : memref<128xf32, #tpu.memory_space<vmem>>, vector<16xf32>,
        %get3A_219 = arith.constant 16 : index
        %get3A_220 = tpu.vector_load %arg10[%get3A_219] {strides = array<i32>} : memref<128xf32, #tpu.memory_space<vmem>>, vector<16xf32>,
        %get3A_221 = arith.constant 32 : index
        %get3A_222 = tpu.vector_load %arg10[%get3A_221] {strides = array<i32>} : memref<128xf32, #tpu.memory_space<vmem>>, vector<16xf32>,
        %get3A_223 = arith.constant 48 : index
        %get3A_224 = tpu.vector_load %arg10[%get3A_223] {strides = array<i32>} : memref<128xf32, #tpu.memory_space<vmem>>, vector<16xf32>,
        %get3A_225 = arith.constant 64 : index
        %get3A_226 = tpu.vector_load %arg10[%get3A_225] {strides = array<i32>} : memref<128xf32, #tpu.memory_space<vmem>>, vector<16xf32>,
        %get3A_227 = arith.constant 80 : index
        %get3A_228 = tpu.vector_load %arg10[%get3A_227] {strides = array<i32>} : memref<128xf32, #tpu.memory_space<vmem>>, vector<16xf32>,
        %get3A_229 = arith.constant 96 : index
        %get3A_230 = tpu.vector_load %arg10[%get3A_229] {strides = array<i32>} : memref<128xf32, #tpu.memory_space<vmem>>, vector<16xf32>,
        %get3A_231 = arith.constant 112 : index
        %get3A_232 = tpu.vector_load %arg10[%get3A_231] {strides = array<i32>} : memref<128xf32, #tpu.memory_space<vmem>>, vector<16xf32>,
        %max3A = arith.maximumf %get3A_218, %get3A_220 : vector<16xf32>
        %max3A_233 = arith.maximumf %max3A, %get3A_222 : vector<16xf32>
        %max3A_234 = arith.maximumf %max3A_233, %get3A_224 : vector<16xf32>
        %max3A_235 = arith.maximumf %max3A_234, %get3A_226 : vector<16xf32>
        %max3A_236 = arith.maximumf %max3A_235, %get3A_228 : vector<16xf32>
        %max3A_237 = arith.maximumf %max3A_236, %get3A_230 : vector<16xf32>
        %max3A_238 = arith.maximumf %max3A_237, %get3A_232 : vector<16xf32>
        %iota3A_239 = tpu.iota {dimensions = array<i32: 0>} : vector<16xi32>
        %xor3A = arith.constant 8 : i32
        %xor3A_240 = vector.broadcast %xor3A : i32 to vector<16xi32>
        %xor3A_241 = arith.xori %iota3A_239, %xor3A_240 : vector<16xi32>
        %broadcast_in_dim3A_242 = vector.shape_cast %xor3A_241 : vector<16xi32> to vector<16x1xi32>
        %gather3A = vector.shape_cast %broadcast_in_dim3A_242 : vector<16x1xi32> to vector<16xi32>
        %gather3A_243 = tpu.dynamic_gather %max3A_238[%gather3A] in [0] : vector<16xf32>, vector<16xi32> -> vector<16xf32>
        %max3A_244 = arith.maximumf %max3A_238, %gather3A_243 : vector<16xf32>
        %xor3A_245 = arith.constant 4 : i32
        %xor3A_246 = vector.broadcast %xor3A_245 : i32 to vector<16xi32>
        %xor3A_247 = arith.xori %iota3A_239, %xor3A_246 : vector<16xi32>
        %broadcast_in_dim3A_248 = vector.shape_cast %xor3A_247 : vector<16xi32> to vector<16x1xi32>
        %gather3A_249 = vector.shape_cast %broadcast_in_dim3A_248 : vector<16x1xi32> to vector<16xi32>
        %gather3A_250 = tpu.dynamic_gather %max3A_244[%gather3A_249] in [0] : vector<16xf32>, vector<16xi32> -> vector<16xf32>
        %max3A_251 = arith.maximumf %max3A_244, %gather3A_250 : vector<16xf32>
        %xor3A_252 = arith.constant 2 : i32
        %xor3A_253 = vector.broadcast %xor3A_252 : i32 to vector<16xi32>
        %xor3A_254 = arith.xori %iota3A_239, %xor3A_253 : vector<16xi32>
        %broadcast_in_dim3A_255 = vector.shape_cast %xor3A_254 : vector<16xi32> to vector<16x1xi32>
        %gather3A_256 = vector.shape_cast %broadcast_in_dim3A_255 : vector<16x1xi32> to vector<16xi32>
        %gather3A_257 = tpu.dynamic_gather %max3A_251[%gather3A_256] in [0] : vector<16xf32>, vector<16xi32> -> vector<16xf32>
        %max3A_258 = arith.maximumf %max3A_251, %gather3A_257 : vector<16xf32>
        %xor3A_259 = arith.constant 1 : i32
        %xor3A_260 = vector.broadcast %xor3A_259 : i32 to vector<16xi32>
        %xor3A_261 = arith.xori %iota3A_239, %xor3A_260 : vector<16xi32>
        %broadcast_in_dim3A_262 = vector.shape_cast %xor3A_261 : vector<16xi32> to vector<16x1xi32>
        %gather3A_263 = vector.shape_cast %broadcast_in_dim3A_262 : vector<16x1xi32> to vector<16xi32>
        %gather3A_264 = tpu.dynamic_gather %max3A_258[%gather3A_263] in [0] : vector<16xf32>, vector<16xi32> -> vector<16xf32>
        %max3A_265 = arith.maximumf %max3A_258, %gather3A_264 : vector<16xf32>
        %broadcast_in_dim3A_266 = arith.constant 65536 : i32
        %broadcast_in_dim3A_267 = vector.broadcast %broadcast_in_dim3A_266 : i32 to vector<16xi32>
        %eq3A = arith.cmpf oeq, %get3A_218, %max3A_265 : vector<16xf32>
        %all_reduce_ffs3A = tpu.all_reduce %eq3A {dim = 0 : i64, kind = #tpu.reduction_kind<find_first_set>} : vector<16xi1> -> vector<16xi32>
        %lt3A = arith.constant 16 : i32
        %lt3A_268 = vector.broadcast %lt3A : i32 to vector<16xi32>
        %lt3A_269 = arith.cmpi slt, %all_reduce_ffs3A, %lt3A_268 : vector<16xi32>
        %add3A_270 = arith.constant 0 : i32
        %add3A_271 = vector.broadcast %add3A_270 : i32 to vector<16xi32>
        %add3A_272 = arith.addi %add3A_271, %all_reduce_ffs3A : vector<16xi32>
        %jit3A = arith.constant 65536 : i32
        %broadcast_in_dim3A_273 = vector.broadcast %jit3A : i32 to vector<16xi32>
        %select_n3A = arith.select %lt3A_269, %add3A_272, %broadcast_in_dim3A_273 : vector<16xi1>, vector<16xi32>
        %min3A = arith.minsi %broadcast_in_dim3A_267, %select_n3A : vector<16xi32>
        %eq3A_274 = arith.cmpf oeq, %get3A_220, %max3A_265 : vector<16xf32>
        %all_reduce_ffs3A_275 = tpu.all_reduce %eq3A_274 {dim = 0 : i64, kind = #tpu.reduction_kind<find_first_set>} : vector<16xi1> -> vector<16xi32>
        %lt3A_276 = arith.constant 16 : i32
        %lt3A_277 = vector.broadcast %lt3A_276 : i32 to vector<16xi32>
        %lt3A_278 = arith.cmpi slt, %all_reduce_ffs3A_275, %lt3A_277 : vector<16xi32>
        %add3A_279 = arith.constant 16 : i32
        %add3A_280 = vector.broadcast %add3A_279 : i32 to vector<16xi32>
        %add3A_281 = arith.addi %add3A_280, %all_reduce_ffs3A_275 : vector<16xi32>
        %jit3A_282 = arith.constant 65536 : i32
        %broadcast_in_dim3A_283 = vector.broadcast %jit3A_282 : i32 to vector<16xi32>
        %select_n3A_284 = arith.select %lt3A_278, %add3A_281, %broadcast_in_dim3A_283 : vector<16xi1>, vector<16xi32>
        %min3A_285 = arith.minsi %min3A, %select_n3A_284 : vector<16xi32>
        %eq3A_286 = arith.cmpf oeq, %get3A_222, %max3A_265 : vector<16xf32>
        %all_reduce_ffs3A_287 = tpu.all_reduce %eq3A_286 {dim = 0 : i64, kind = #tpu.reduction_kind<find_first_set>} : vector<16xi1> -> vector<16xi32>
        %lt3A_288 = arith.constant 16 : i32
        %lt3A_289 = vector.broadcast %lt3A_288 : i32 to vector<16xi32>
        %lt3A_290 = arith.cmpi slt, %all_reduce_ffs3A_287, %lt3A_289 : vector<16xi32>
        %add3A_291 = arith.constant 32 : i32
        %add3A_292 = vector.broadcast %add3A_291 : i32 to vector<16xi32>
        %add3A_293 = arith.addi %add3A_292, %all_reduce_ffs3A_287 : vector<16xi32>
        %jit3A_294 = arith.constant 65536 : i32
        %broadcast_in_dim3A_295 = vector.broadcast %jit3A_294 : i32 to vector<16xi32>
        %select_n3A_296 = arith.select %lt3A_290, %add3A_293, %broadcast_in_dim3A_295 : vector<16xi1>, vector<16xi32>
        %min3A_297 = arith.minsi %min3A_285, %select_n3A_296 : vector<16xi32>
        %eq3A_298 = arith.cmpf oeq, %get3A_224, %max3A_265 : vector<16xf32>
        %all_reduce_ffs3A_299 = tpu.all_reduce %eq3A_298 {dim = 0 : i64, kind = #tpu.reduction_kind<find_first_set>} : vector<16xi1> -> vector<16xi32>
        %lt3A_300 = arith.constant 16 : i32
        %lt3A_301 = vector.broadcast %lt3A_300 : i32 to vector<16xi32>
        %lt3A_302 = arith.cmpi slt, %all_reduce_ffs3A_299, %lt3A_301 : vector<16xi32>
        %add3A_303 = arith.constant 48 : i32
        %add3A_304 = vector.broadcast %add3A_303 : i32 to vector<16xi32>
        %add3A_305 = arith.addi %add3A_304, %all_reduce_ffs3A_299 : vector<16xi32>
        %jit3A_306 = arith.constant 65536 : i32
        %broadcast_in_dim3A_307 = vector.broadcast %jit3A_306 : i32 to vector<16xi32>
        %select_n3A_308 = arith.select %lt3A_302, %add3A_305, %broadcast_in_dim3A_307 : vector<16xi1>, vector<16xi32>
        %min3A_309 = arith.minsi %min3A_297, %select_n3A_308 : vector<16xi32>
        %eq3A_310 = arith.cmpf oeq, %get3A_226, %max3A_265 : vector<16xf32>
        %all_reduce_ffs3A_311 = tpu.all_reduce %eq3A_310 {dim = 0 : i64, kind = #tpu.reduction_kind<find_first_set>} : vector<16xi1> -> vector<16xi32>
        %lt3A_312 = arith.constant 16 : i32
        %lt3A_313 = vector.broadcast %lt3A_312 : i32 to vector<16xi32>
        %lt3A_314 = arith.cmpi slt, %all_reduce_ffs3A_311, %lt3A_313 : vector<16xi32>
        %add3A_315 = arith.constant 64 : i32
        %add3A_316 = vector.broadcast %add3A_315 : i32 to vector<16xi32>
        %add3A_317 = arith.addi %add3A_316, %all_reduce_ffs3A_311 : vector<16xi32>
        %jit3A_318 = arith.constant 65536 : i32
        %broadcast_in_dim3A_319 = vector.broadcast %jit3A_318 : i32 to vector<16xi32>
        %select_n3A_320 = arith.select %lt3A_314, %add3A_317, %broadcast_in_dim3A_319 : vector<16xi1>, vector<16xi32>
        %min3A_321 = arith.minsi %min3A_309, %select_n3A_320 : vector<16xi32>
        %eq3A_322 = arith.cmpf oeq, %get3A_228, %max3A_265 : vector<16xf32>
        %all_reduce_ffs3A_323 = tpu.all_reduce %eq3A_322 {dim = 0 : i64, kind = #tpu.reduction_kind<find_first_set>} : vector<16xi1> -> vector<16xi32>
        %lt3A_324 = arith.constant 16 : i32
        %lt3A_325 = vector.broadcast %lt3A_324 : i32 to vector<16xi32>
        %lt3A_326 = arith.cmpi slt, %all_reduce_ffs3A_323, %lt3A_325 : vector<16xi32>
        %add3A_327 = arith.constant 80 : i32
        %add3A_328 = vector.broadcast %add3A_327 : i32 to vector<16xi32>
        %add3A_329 = arith.addi %add3A_328, %all_reduce_ffs3A_323 : vector<16xi32>
        %jit3A_330 = arith.constant 65536 : i32
        %broadcast_in_dim3A_331 = vector.broadcast %jit3A_330 : i32 to vector<16xi32>
        %select_n3A_332 = arith.select %lt3A_326, %add3A_329, %broadcast_in_dim3A_331 : vector<16xi1>, vector<16xi32>
        %min3A_333 = arith.minsi %min3A_321, %select_n3A_332 : vector<16xi32>
        %eq3A_334 = arith.cmpf oeq, %get3A_230, %max3A_265 : vector<16xf32>
        %all_reduce_ffs3A_335 = tpu.all_reduce %eq3A_334 {dim = 0 : i64, kind = #tpu.reduction_kind<find_first_set>} : vector<16xi1> -> vector<16xi32>
        %lt3A_336 = arith.constant 16 : i32
        %lt3A_337 = vector.broadcast %lt3A_336 : i32 to vector<16xi32>
        %lt3A_338 = arith.cmpi slt, %all_reduce_ffs3A_335, %lt3A_337 : vector<16xi32>
        %add3A_339 = arith.constant 96 : i32
        %add3A_340 = vector.broadcast %add3A_339 : i32 to vector<16xi32>
        %add3A_341 = arith.addi %add3A_340, %all_reduce_ffs3A_335 : vector<16xi32>
        %jit3A_342 = arith.constant 65536 : i32
        %broadcast_in_dim3A_343 = vector.broadcast %jit3A_342 : i32 to vector<16xi32>
        %select_n3A_344 = arith.select %lt3A_338, %add3A_341, %broadcast_in_dim3A_343 : vector<16xi1>, vector<16xi32>
        %min3A_345 = arith.minsi %min3A_333, %select_n3A_344 : vector<16xi32>
        %eq3A_346 = arith.cmpf oeq, %get3A_232, %max3A_265 : vector<16xf32>
        %all_reduce_ffs3A_347 = tpu.all_reduce %eq3A_346 {dim = 0 : i64, kind = #tpu.reduction_kind<find_first_set>} : vector<16xi1> -> vector<16xi32>
        %lt3A_348 = arith.constant 16 : i32
        %lt3A_349 = vector.broadcast %lt3A_348 : i32 to vector<16xi32>
        %lt3A_350 = arith.cmpi slt, %all_reduce_ffs3A_347, %lt3A_349 : vector<16xi32>
        %add3A_351 = arith.constant 112 : i32
        %add3A_352 = vector.broadcast %add3A_351 : i32 to vector<16xi32>
        %add3A_353 = arith.addi %add3A_352, %all_reduce_ffs3A_347 : vector<16xi32>
        %jit3A_354 = arith.constant 65536 : i32
        %broadcast_in_dim3A_355 = vector.broadcast %jit3A_354 : i32 to vector<16xi32>
        %select_n3A_356 = arith.select %lt3A_350, %add3A_353, %broadcast_in_dim3A_355 : vector<16xi1>, vector<16xi32>
        %min3A_357 = arith.minsi %min3A_345, %select_n3A_356 : vector<16xi32>
        %mul3A_358 = arith.constant 128 : i32
        %mul3A_359 = vector.broadcast %mul3A_358 : i32 to vector<16xi32>
        %mul3A_360 = arith.muli %iota3A, %mul3A_359 : vector<16xi32>
        %add3A_361 = arith.addi %mul3A_360, %min3A_357 : vector<16xi32>
        %gather3A_362 = tpu.vector_load_idx %arg9[%add3A_361] : memref<2048xf32, #tpu.memory_space<vmem>>[vector<16xi32>], vector<16xf32>,
        %eq3A_363 = arith.cmpf oeq, %gather3A_362, %max3A_265 : vector<16xf32>
        %all_reduce_ffs3A_364 = tpu.all_reduce %eq3A_363 {dim = 0 : i64, kind = #tpu.reduction_kind<find_first_set>} : vector<16xi1> -> vector<16xi32>
        %mul3A_365 = arith.constant 256 : i32
        %mul3A_366 = vector.broadcast %mul3A_365 : i32 to vector<16xi32>
        %mul3A_367 = arith.muli %min3A_357, %mul3A_366 : vector<16xi32>
        %add3A_368 = arith.addi %mul3A_367, %all_reduce_ffs3A_364 : vector<16xi32>
        %mul3A_369 = arith.constant 16 : i32
        %mul3A_370 = vector.broadcast %mul3A_369 : i32 to vector<16xi32>
        %mul3A_371 = arith.muli %iota3A, %mul3A_370 : vector<16xi32>
        %add3A_372 = arith.addi %add3A_368, %mul3A_371 : vector<16xi32>
        %gather3A_373 = tpu.vector_load_idx %arg7[%add3A_372] : memref<32768xf32, #tpu.memory_space<vmem>>[vector<16xi32>], vector<16xf32>,
        %eq3A_374 = arith.cmpf oeq, %gather3A_373, %max3A_265 : vector<16xf32>
        %all_reduce_ffs3A_375 = tpu.all_reduce %eq3A_374 {dim = 0 : i64, kind = #tpu.reduction_kind<find_first_set>} : vector<16xi1> -> vector<16xi32>
        %mul3A_376 = arith.constant 256 : i32
        %mul3A_377 = vector.broadcast %mul3A_376 : i32 to vector<16xi32>
        %mul3A_378 = arith.muli %min3A_357, %mul3A_377 : vector<16xi32>
        %mul3A_379 = arith.constant 16 : i32
        %mul3A_380 = vector.broadcast %mul3A_379 : i32 to vector<16xi32>
        %mul3A_381 = arith.muli %all_reduce_ffs3A_375, %mul3A_380 : vector<16xi32>
        %add3A_382 = arith.addi %mul3A_378, %mul3A_381 : vector<16xi32>
        %add3A_383 = arith.addi %add3A_382, %all_reduce_ffs3A_364 : vector<16xi32>
        %iota3A_384 = tpu.iota {dimensions = array<i32: 0>} : vector<16xi32>
        %eq3A_385 = arith.constant 0 : i32
        %eq3A_386 = vector.broadcast %eq3A_385 : i32 to vector<16xi32>
        %eq3A_387 = arith.cmpi eq, %iota3A_384, %eq3A_386 : vector<16xi32>
        %broadcast_in_dim3A_388 = vector.broadcast %scan3A_215 : i32 to vector<16xi32>
        tpu.vector_store_idx %arg14[%broadcast_in_dim3A_388], %add3A_383 masked %eq3A_387 : memref<32xi32, #tpu.memory_space<vmem>>[vector<16xi32>], vector<16xi32>, vector<16xi1>
        %iota3A_389 = tpu.iota {dimensions = array<i32: 0>} : vector<16xi32>
        %eq3A_390 = arith.constant 0 : i32
        %eq3A_391 = vector.broadcast %eq3A_390 : i32 to vector<16xi32>
        %eq3A_392 = arith.cmpi eq, %iota3A_389, %eq3A_391 : vector<16xi32>
        %broadcast_in_dim3A_393 = vector.broadcast %scan3A_215 : i32 to vector<16xi32>
        tpu.vector_store_idx %arg15[%broadcast_in_dim3A_393], %max3A_265 masked %eq3A_392 : memref<32xf32, #tpu.memory_space<vmem>>[vector<16xi32>], vector<16xf32>, vector<16xi1>
        %ge3A = arith.constant 1638 : i32
        %ge3A_394 = vector.broadcast %ge3A : i32 to vector<16xi32>
        %ge3A_395 = arith.cmpi sge, %add3A_383, %ge3A_394 : vector<16xi32>
        %lt3A_396 = arith.constant 3276 : i32
        %lt3A_397 = vector.broadcast %lt3A_396 : i32 to vector<16xi32>
        %lt3A_398 = arith.cmpi slt, %add3A_383, %lt3A_397 : vector<16xi32>
        %and3A = arith.andi %ge3A_395, %lt3A_398 : vector<16xi1>
        %jit3A_399 = arith.constant 0.000000e+00 : f32
        %broadcast_in_dim3A_400 = vector.broadcast %jit3A_399 : f32 to vector<16xf32>
        %select_n3A_401 = arith.select %and3A, %broadcast_in_dim3A_400, %max3A_265 : vector<16xi1>, vector<16xf32>
        %lt3A_402 = arith.constant 1638 : i32
        %lt3A_403 = vector.broadcast %lt3A_402 : i32 to vector<16xi32>
        %lt3A_404 = arith.cmpi slt, %add3A_383, %lt3A_403 : vector<16xi32>
        %jit3A_405 = arith.constant 0.000000e+00 : f32
        %broadcast_in_dim3A_406 = vector.broadcast %jit3A_405 : f32 to vector<16xf32>
        %select_n3A_407 = arith.select %lt3A_404, %broadcast_in_dim3A_406, %max3A_265 : vector<16xi1>, vector<16xf32>
        %mul3A_408 = arith.constant 16 : i32
        %mul3A_409 = arith.muli %scan3A_215, %mul3A_408 : i32
        %add3A_410 = vector.broadcast %mul3A_409 : i32 to vector<16xi32>
        %add3A_411 = arith.addi %add3A_410, %iota3A : vector<16xi32>
        tpu.vector_store_idx %arg16[%add3A_411], %select_n3A_401 : memref<512xf32, #tpu.memory_space<vmem>>[vector<16xi32>], vector<16xf32>,
        %mul3A_412 = arith.constant 16 : i32
        %mul3A_413 = arith.muli %scan3A_215, %mul3A_412 : i32
        %add3A_414 = vector.broadcast %mul3A_413 : i32 to vector<16xi32>
        %add3A_415 = arith.addi %add3A_414, %iota3A : vector<16xi32>
        tpu.vector_store_idx %arg17[%add3A_415], %select_n3A_407 : memref<512xf32, #tpu.memory_space<vmem>>[vector<16xi32>], vector<16xf32>,
        %iota3A_416 = tpu.iota {dimensions = array<i32: 0>} : vector<16xi32>
        %eq3A_417 = arith.constant 0 : i32
        %eq3A_418 = vector.broadcast %eq3A_417 : i32 to vector<16xi32>
        %eq3A_419 = arith.cmpi eq, %iota3A_416, %eq3A_418 : vector<16xi32>
        %broadcast_in_dim3A_420 = arith.constant -1.000000e+00 : f32
        %broadcast_in_dim3A_421 = vector.broadcast %broadcast_in_dim3A_420 : f32 to vector<16xf32>
        tpu.vector_store_idx %arg7[%add3A_383], %broadcast_in_dim3A_421 masked %eq3A_419 : memref<32768xf32, #tpu.memory_space<vmem>>[vector<16xi32>], vector<16xf32>, vector<16xi1>
        %eq3A_422 = arith.cmpi eq, %iota3A, %all_reduce_ffs3A_375 : vector<16xi32>
        %jit3A_423 = arith.constant -1.000000e+00 : f32
        %broadcast_in_dim3A_424 = vector.broadcast %jit3A_423 : f32 to vector<16xf32>
        %select_n3A_425 = arith.select %eq3A_422, %broadcast_in_dim3A_424, %gather3A_373 : vector<16xi1>, vector<16xf32>
        %iota3A_426 = tpu.iota {dimensions = array<i32: 0>} : vector<16xi32>
        %xor3A_427 = arith.constant 8 : i32
        %xor3A_428 = vector.broadcast %xor3A_427 : i32 to vector<16xi32>
        %xor3A_429 = arith.xori %iota3A_426, %xor3A_428 : vector<16xi32>
        %broadcast_in_dim3A_430 = vector.shape_cast %xor3A_429 : vector<16xi32> to vector<16x1xi32>
        %gather3A_431 = vector.shape_cast %broadcast_in_dim3A_430 : vector<16x1xi32> to vector<16xi32>
        %gather3A_432 = tpu.dynamic_gather %select_n3A_425[%gather3A_431] in [0] : vector<16xf32>, vector<16xi32> -> vector<16xf32>
        %max3A_433 = arith.maximumf %select_n3A_425, %gather3A_432 : vector<16xf32>
        %xor3A_434 = arith.constant 4 : i32
        %xor3A_435 = vector.broadcast %xor3A_434 : i32 to vector<16xi32>
        %xor3A_436 = arith.xori %iota3A_426, %xor3A_435 : vector<16xi32>
        %broadcast_in_dim3A_437 = vector.shape_cast %xor3A_436 : vector<16xi32> to vector<16x1xi32>
        %gather3A_438 = vector.shape_cast %broadcast_in_dim3A_437 : vector<16x1xi32> to vector<16xi32>
        %gather3A_439 = tpu.dynamic_gather %max3A_433[%gather3A_438] in [0] : vector<16xf32>, vector<16xi32> -> vector<16xf32>
        %max3A_440 = arith.maximumf %max3A_433, %gather3A_439 : vector<16xf32>
        %xor3A_441 = arith.constant 2 : i32
        %xor3A_442 = vector.broadcast %xor3A_441 : i32 to vector<16xi32>
        %xor3A_443 = arith.xori %iota3A_426, %xor3A_442 : vector<16xi32>
        %broadcast_in_dim3A_444 = vector.shape_cast %xor3A_443 : vector<16xi32> to vector<16x1xi32>
        %gather3A_445 = vector.shape_cast %broadcast_in_dim3A_444 : vector<16x1xi32> to vector<16xi32>
        %gather3A_446 = tpu.dynamic_gather %max3A_440[%gather3A_445] in [0] : vector<16xf32>, vector<16xi32> -> vector<16xf32>
        %max3A_447 = arith.maximumf %max3A_440, %gather3A_446 : vector<16xf32>
        %xor3A_448 = arith.constant 1 : i32
        %xor3A_449 = vector.broadcast %xor3A_448 : i32 to vector<16xi32>
        %xor3A_450 = arith.xori %iota3A_426, %xor3A_449 : vector<16xi32>
        %broadcast_in_dim3A_451 = vector.shape_cast %xor3A_450 : vector<16xi32> to vector<16x1xi32>
        %gather3A_452 = vector.shape_cast %broadcast_in_dim3A_451 : vector<16x1xi32> to vector<16xi32>
        %gather3A_453 = tpu.dynamic_gather %max3A_447[%gather3A_452] in [0] : vector<16xf32>, vector<16xi32> -> vector<16xf32>
        %max3A_454 = arith.maximumf %max3A_447, %gather3A_453 : vector<16xf32>
        %mul3A_455 = arith.constant 128 : i32
        %mul3A_456 = vector.broadcast %mul3A_455 : i32 to vector<16xi32>
        %mul3A_457 = arith.muli %all_reduce_ffs3A_364, %mul3A_456 : vector<16xi32>
        %add3A_458 = arith.addi %mul3A_457, %min3A_357 : vector<16xi32>
        %iota3A_459 = tpu.iota {dimensions = array<i32: 0>} : vector<16xi32>
        %eq3A_460 = arith.constant 0 : i32
        %eq3A_461 = vector.broadcast %eq3A_460 : i32 to vector<16xi32>
        %eq3A_462 = arith.cmpi eq, %iota3A_459, %eq3A_461 : vector<16xi32>
        tpu.vector_store_idx %arg9[%add3A_458], %max3A_454 masked %eq3A_462 : memref<2048xf32, #tpu.memory_space<vmem>>[vector<16xi32>], vector<16xf32>, vector<16xi1>
        %eq3A_463 = arith.cmpi eq, %iota3A, %all_reduce_ffs3A_364 : vector<16xi32>
        %select_n3A_464 = arith.select %eq3A_463, %max3A_454, %gather3A_362 : vector<16xi1>, vector<16xf32>
        %iota3A_465 = tpu.iota {dimensions = array<i32: 0>} : vector<16xi32>
        %xor3A_466 = arith.constant 8 : i32
        %xor3A_467 = vector.broadcast %xor3A_466 : i32 to vector<16xi32>
        %xor3A_468 = arith.xori %iota3A_465, %xor3A_467 : vector<16xi32>
        %broadcast_in_dim3A_469 = vector.shape_cast %xor3A_468 : vector<16xi32> to vector<16x1xi32>
        %gather3A_470 = vector.shape_cast %broadcast_in_dim3A_469 : vector<16x1xi32> to vector<16xi32>
        %gather3A_471 = tpu.dynamic_gather %select_n3A_464[%gather3A_470] in [0] : vector<16xf32>, vector<16xi32> -> vector<16xf32>
        %max3A_472 = arith.maximumf %select_n3A_464, %gather3A_471 : vector<16xf32>
        %xor3A_473 = arith.constant 4 : i32
        %xor3A_474 = vector.broadcast %xor3A_473 : i32 to vector<16xi32>
        %xor3A_475 = arith.xori %iota3A_465, %xor3A_474 : vector<16xi32>
        %broadcast_in_dim3A_476 = vector.shape_cast %xor3A_475 : vector<16xi32> to vector<16x1xi32>
        %gather3A_477 = vector.shape_cast %broadcast_in_dim3A_476 : vector<16x1xi32> to vector<16xi32>
        %gather3A_478 = tpu.dynamic_gather %max3A_472[%gather3A_477] in [0] : vector<16xf32>, vector<16xi32> -> vector<16xf32>
        %max3A_479 = arith.maximumf %max3A_472, %gather3A_478 : vector<16xf32>
        %xor3A_480 = arith.constant 2 : i32
        %xor3A_481 = vector.broadcast %xor3A_480 : i32 to vector<16xi32>
        %xor3A_482 = arith.xori %iota3A_465, %xor3A_481 : vector<16xi32>
        %broadcast_in_dim3A_483 = vector.shape_cast %xor3A_482 : vector<16xi32> to vector<16x1xi32>
        %gather3A_484 = vector.shape_cast %broadcast_in_dim3A_483 : vector<16x1xi32> to vector<16xi32>
        %gather3A_485 = tpu.dynamic_gather %max3A_479[%gather3A_484] in [0] : vector<16xf32>, vector<16xi32> -> vector<16xf32>
        %max3A_486 = arith.maximumf %max3A_479, %gather3A_485 : vector<16xf32>
        %xor3A_487 = arith.constant 1 : i32
        %xor3A_488 = vector.broadcast %xor3A_487 : i32 to vector<16xi32>
        %xor3A_489 = arith.xori %iota3A_465, %xor3A_488 : vector<16xi32>
        %broadcast_in_dim3A_490 = vector.shape_cast %xor3A_489 : vector<16xi32> to vector<16x1xi32>
        %gather3A_491 = vector.shape_cast %broadcast_in_dim3A_490 : vector<16x1xi32> to vector<16xi32>
        %gather3A_492 = tpu.dynamic_gather %max3A_486[%gather3A_491] in [0] : vector<16xf32>, vector<16xi32> -> vector<16xf32>
        %max3A_493 = arith.maximumf %max3A_486, %gather3A_492 : vector<16xf32>
        %iota3A_494 = tpu.iota {dimensions = array<i32: 0>} : vector<16xi32>
        %eq3A_495 = arith.constant 0 : i32
        %eq3A_496 = vector.broadcast %eq3A_495 : i32 to vector<16xi32>
        %eq3A_497 = arith.cmpi eq, %iota3A_494, %eq3A_496 : vector<16xi32>
        tpu.vector_store_idx %arg10[%min3A_357], %max3A_493 masked %eq3A_497 : memref<128xf32, #tpu.memory_space<vmem>>[vector<16xi32>], vector<16xf32>, vector<16xi1>
        %scan3A_498 = arith.constant 0 : i32
        scf.yield %scan3A_498 : i32
      }
      %scan3A_39 = arith.constant 32 : i32
      "tpu.region"() ({
        %run_scoped3A = tpu.sem_alloc : memref<!tpu.dma_semaphore, #tpu.memory_space<semaphore_mem>>
        %dma_start3A_215 = arith.constant 0 : i32
        %dma_start3A_216 = arith.constant 0 : i32
        %dma_start3A_217 = arith.constant 0 : i32
        %dma_start3A_218 = tpu.memref_slice %arg3[%dma_start3A_215, %dma_start3A_216, %dma_start3A_217] : memref<32768x2x768xf32, #tpu.memory_space<hbm>> -> memref<32768x2x768xf32, #tpu.memory_space<hbm>>
        tpu.enqueue_indirect_dma source(%dma_start3A_218 : memref<32768x2x768xf32, #tpu.memory_space<hbm>>) target(%arg11 : memref<32x2x768xf32, #tpu.memory_space<vmem>>) offsets(%arg14 : memref<32xi32, #tpu.memory_space<vmem>>) semaphore(%run_scoped3A : memref<!tpu.dma_semaphore, #tpu.memory_space<semaphore_mem>>)
        %dma_wait3A_219 = arith.constant 0 : i32
        %dma_wait3A_220 = arith.constant 0 : i32
        %dma_wait3A_221 = arith.constant 0 : i32
        %dma_wait3A_222 = tpu.memref_slice %arg3[%dma_wait3A_219, %dma_wait3A_220, %dma_wait3A_221] : memref<32768x2x768xf32, #tpu.memory_space<hbm>> -> memref<32768x2x768xf32, #tpu.memory_space<hbm>>
        tpu.wait_indirect_dma semaphore(%run_scoped3A : memref<!tpu.dma_semaphore, #tpu.memory_space<semaphore_mem>>) src(%dma_wait3A_222 : memref<32768x2x768xf32, #tpu.memory_space<hbm>>) dst(%arg11 : memref<32x2x768xf32, #tpu.memory_space<vmem>>)
        tpu.yield
      }) : () -> ()
      %get3A = arith.constant 0 : index
      %get3A_40 = tpu.vector_load %arg14[%get3A] {strides = array<i32>} : memref<32xi32, #tpu.memory_space<vmem>>, vector<16xi32>,
      %get3A_41 = arith.constant 16 : index
      %get3A_42 = tpu.vector_load %arg14[%get3A_41] {strides = array<i32>} : memref<32xi32, #tpu.memory_space<vmem>>, vector<16xi32>,
      %get3A_43 = arith.constant 0 : index
      %get3A_44 = tpu.vector_load %arg15[%get3A_43] {strides = array<i32>} : memref<32xf32, #tpu.memory_space<vmem>>, vector<16xf32>,
      %get3A_45 = arith.constant 16 : index
      %get3A_46 = tpu.vector_load %arg15[%get3A_45] {strides = array<i32>} : memref<32xf32, #tpu.memory_space<vmem>>, vector<16xf32>,
      tpu.vector_store_idx %arg8[%get3A_40], %get3A_44 : memref<32768xf32, #tpu.memory_space<vmem>>[vector<16xi32>], vector<16xf32>,
      tpu.vector_store_idx %arg8[%get3A_42], %get3A_46 : memref<32768xf32, #tpu.memory_space<vmem>>[vector<16xi32>], vector<16xf32>,
      %dma_start3A = arith.constant 0 : i32
      %dma_start3A_47 = tpu.memref_slice %arg5[%add3A_18, %dma_start3A] : memref<64x32768xf32, #tpu.memory_space<hbm>> -> memref<1x32768xf32, #tpu.memory_space<hbm>>
      %dma_start3A_48 = tpu.memref_squeeze %dma_start3A_47 : memref<1x32768xf32, #tpu.memory_space<hbm>> -> memref<32768xf32, #tpu.memory_space<hbm>>
      %dma_start3A_49 = arith.constant 0 : i32
      %dma_start3A_50 = tpu.memref_slice %arg5[%add3A_18, %dma_start3A_49] : memref<64x32768xf32, #tpu.memory_space<hbm>> -> memref<1x32768xf32, #tpu.memory_space<hbm>>
      %dma_start3A_51 = tpu.memref_squeeze %dma_start3A_50 : memref<1x32768xf32, #tpu.memory_space<hbm>> -> memref<32768xf32, #tpu.memory_space<hbm>>
      tpu.enqueue_dma source(%arg8 : memref<32768xf32, #tpu.memory_space<vmem>>) target(%dma_start3A_51 : memref<32768xf32, #tpu.memory_space<hbm>>) target_semaphore(%arg18 : memref<!tpu.dma_semaphore, #tpu.memory_space<semaphore_mem>>)
      %get3A_52 = arith.constant 0 : index
      %get3A_53 = tpu.vector_load %arg16[%get3A_52] {strides = array<i32>} : memref<512xf32, #tpu.memory_space<vmem>>, vector<16xf32>,
      %get3A_54 = arith.constant 16 : index
      %get3A_55 = tpu.vector_load %arg16[%get3A_54] {strides = array<i32>} : memref<512xf32, #tpu.memory_space<vmem>>, vector<16xf32>,
      %get3A_56 = arith.constant 32 : index
      %get3A_57 = tpu.vector_load %arg16[%get3A_56] {strides = array<i32>} : memref<512xf32, #tpu.memory_space<vmem>>, vector<16xf32>,
      %get3A_58 = arith.constant 48 : index
      %get3A_59 = tpu.vector_load %arg16[%get3A_58] {strides = array<i32>} : memref<512xf32, #tpu.memory_space<vmem>>, vector<16xf32>,
      %get3A_60 = arith.constant 64 : index
      %get3A_61 = tpu.vector_load %arg16[%get3A_60] {strides = array<i32>} : memref<512xf32, #tpu.memory_space<vmem>>, vector<16xf32>,
      %get3A_62 = arith.constant 80 : index
      %get3A_63 = tpu.vector_load %arg16[%get3A_62] {strides = array<i32>} : memref<512xf32, #tpu.memory_space<vmem>>, vector<16xf32>,
      %get3A_64 = arith.constant 96 : index
      %get3A_65 = tpu.vector_load %arg16[%get3A_64] {strides = array<i32>} : memref<512xf32, #tpu.memory_space<vmem>>, vector<16xf32>,
      %get3A_66 = arith.constant 112 : index
      %get3A_67 = tpu.vector_load %arg16[%get3A_66] {strides = array<i32>} : memref<512xf32, #tpu.memory_space<vmem>>, vector<16xf32>,
      %get3A_68 = arith.constant 128 : index
      %get3A_69 = tpu.vector_load %arg16[%get3A_68] {strides = array<i32>} : memref<512xf32, #tpu.memory_space<vmem>>, vector<16xf32>,
      %get3A_70 = arith.constant 144 : index
      %get3A_71 = tpu.vector_load %arg16[%get3A_70] {strides = array<i32>} : memref<512xf32, #tpu.memory_space<vmem>>, vector<16xf32>,
      %get3A_72 = arith.constant 160 : index
      %get3A_73 = tpu.vector_load %arg16[%get3A_72] {strides = array<i32>} : memref<512xf32, #tpu.memory_space<vmem>>, vector<16xf32>,
      %get3A_74 = arith.constant 176 : index
      %get3A_75 = tpu.vector_load %arg16[%get3A_74] {strides = array<i32>} : memref<512xf32, #tpu.memory_space<vmem>>, vector<16xf32>,
      %get3A_76 = arith.constant 192 : index
      %get3A_77 = tpu.vector_load %arg16[%get3A_76] {strides = array<i32>} : memref<512xf32, #tpu.memory_space<vmem>>, vector<16xf32>,
      %get3A_78 = arith.constant 208 : index
      %get3A_79 = tpu.vector_load %arg16[%get3A_78] {strides = array<i32>} : memref<512xf32, #tpu.memory_space<vmem>>, vector<16xf32>,
      %get3A_80 = arith.constant 224 : index
      %get3A_81 = tpu.vector_load %arg16[%get3A_80] {strides = array<i32>} : memref<512xf32, #tpu.memory_space<vmem>>, vector<16xf32>,
      %get3A_82 = arith.constant 240 : index
      %get3A_83 = tpu.vector_load %arg16[%get3A_82] {strides = array<i32>} : memref<512xf32, #tpu.memory_space<vmem>>, vector<16xf32>,
      %get3A_84 = arith.constant 0 : index
      %get3A_85 = tpu.vector_load %arg17[%get3A_84] {strides = array<i32>} : memref<512xf32, #tpu.memory_space<vmem>>, vector<16xf32>,
      %get3A_86 = arith.constant 16 : index
      %get3A_87 = tpu.vector_load %arg17[%get3A_86] {strides = array<i32>} : memref<512xf32, #tpu.memory_space<vmem>>, vector<16xf32>,
      %get3A_88 = arith.constant 32 : index
      %get3A_89 = tpu.vector_load %arg17[%get3A_88] {strides = array<i32>} : memref<512xf32, #tpu.memory_space<vmem>>, vector<16xf32>,
      %get3A_90 = arith.constant 48 : index
      %get3A_91 = tpu.vector_load %arg17[%get3A_90] {strides = array<i32>} : memref<512xf32, #tpu.memory_space<vmem>>, vector<16xf32>,
      %get3A_92 = arith.constant 64 : index
      %get3A_93 = tpu.vector_load %arg17[%get3A_92] {strides = array<i32>} : memref<512xf32, #tpu.memory_space<vmem>>, vector<16xf32>,
      %get3A_94 = arith.constant 80 : index
      %get3A_95 = tpu.vector_load %arg17[%get3A_94] {strides = array<i32>} : memref<512xf32, #tpu.memory_space<vmem>>, vector<16xf32>,
      %get3A_96 = arith.constant 96 : index
      %get3A_97 = tpu.vector_load %arg17[%get3A_96] {strides = array<i32>} : memref<512xf32, #tpu.memory_space<vmem>>, vector<16xf32>,
      %get3A_98 = arith.constant 112 : index
      %get3A_99 = tpu.vector_load %arg17[%get3A_98] {strides = array<i32>} : memref<512xf32, #tpu.memory_space<vmem>>, vector<16xf32>,
      %get3A_100 = arith.constant 128 : index
      %get3A_101 = tpu.vector_load %arg17[%get3A_100] {strides = array<i32>} : memref<512xf32, #tpu.memory_space<vmem>>, vector<16xf32>,
      %get3A_102 = arith.constant 144 : index
      %get3A_103 = tpu.vector_load %arg17[%get3A_102] {strides = array<i32>} : memref<512xf32, #tpu.memory_space<vmem>>, vector<16xf32>,
      %get3A_104 = arith.constant 160 : index
      %get3A_105 = tpu.vector_load %arg17[%get3A_104] {strides = array<i32>} : memref<512xf32, #tpu.memory_space<vmem>>, vector<16xf32>,
      %get3A_106 = arith.constant 176 : index
      %get3A_107 = tpu.vector_load %arg17[%get3A_106] {strides = array<i32>} : memref<512xf32, #tpu.memory_space<vmem>>, vector<16xf32>,
      %get3A_108 = arith.constant 192 : index
      %get3A_109 = tpu.vector_load %arg17[%get3A_108] {strides = array<i32>} : memref<512xf32, #tpu.memory_space<vmem>>, vector<16xf32>,
      %get3A_110 = arith.constant 208 : index
      %get3A_111 = tpu.vector_load %arg17[%get3A_110] {strides = array<i32>} : memref<512xf32, #tpu.memory_space<vmem>>, vector<16xf32>,
      %get3A_112 = arith.constant 224 : index
      %get3A_113 = tpu.vector_load %arg17[%get3A_112] {strides = array<i32>} : memref<512xf32, #tpu.memory_space<vmem>>, vector<16xf32>,
      %get3A_114 = arith.constant 240 : index
      %get3A_115 = tpu.vector_load %arg17[%get3A_114] {strides = array<i32>} : memref<512xf32, #tpu.memory_space<vmem>>, vector<16xf32>,
      %scan3A_116 = arith.constant 0 : i32
      %scan3A_117 = arith.constant 0 : i32
      %scan3A_118 = arith.constant 48 : i32
      %scan3A_119 = arith.addi %scan3A_117, %scan3A_118 : i32
      %scan3A_120 = arith.constant 1 : i32
      %scan3A_121 = scf.for %scan3A_215 = %scan3A_117 to %scan3A_119 step %scan3A_120 iter_args(%scan3A_216 = %scan3A_116) -> (i32)  : i32 {
        %mul3A_217 = arith.constant 16 : i32
        %mul3A_218 = arith.muli %scan3A_215, %mul3A_217 : i32
        %get3A_219 = arith.constant 0 : i32
        %get3A_220 = arith.index_cast %get3A_219 : i32 to index
        %get3A_221 = arith.index_cast %mul3A_218 : i32 to index
        %get3A_222 = tpu.vector_load %arg13[%get3A_220, %get3A_221] {strides = array<i32>} : memref<2x768xf32, #tpu.memory_space<vmem>>, vector<16xf32>,
        %get3A_223 = arith.constant 0 : i32
        %get3A_224 = arith.constant 0 : i32
        %get3A_225 = arith.index_cast %get3A_223 : i32 to index
        %get3A_226 = arith.index_cast %get3A_224 : i32 to index
        %get3A_227 = arith.index_cast %mul3A_218 : i32 to index
        %get3A_228 = tpu.vector_load %arg11[%get3A_225, %get3A_226, %get3A_227] {strides = array<i32>} : memref<32x2x768xf32, #tpu.memory_space<vmem>>, vector<16xf32>,
        %mul3A_229 = arith.mulf %get3A_53, %get3A_228 : vector<16xf32>
        %add3A_230 = arith.addf %get3A_222, %mul3A_229 : vector<16xf32>
        %get3A_231 = arith.constant 1 : i32
        %get3A_232 = arith.constant 0 : i32
        %get3A_233 = arith.index_cast %get3A_231 : i32 to index
        %get3A_234 = arith.index_cast %get3A_232 : i32 to index
        %get3A_235 = arith.index_cast %mul3A_218 : i32 to index
        %get3A_236 = tpu.vector_load %arg11[%get3A_233, %get3A_234, %get3A_235] {strides = array<i32>} : memref<32x2x768xf32, #tpu.memory_space<vmem>>, vector<16xf32>,
        %mul3A_237 = arith.mulf %get3A_55, %get3A_236 : vector<16xf32>
        %add3A_238 = arith.addf %add3A_230, %mul3A_237 : vector<16xf32>
        %get3A_239 = arith.constant 2 : i32
        %get3A_240 = arith.constant 0 : i32
        %get3A_241 = arith.index_cast %get3A_239 : i32 to index
        %get3A_242 = arith.index_cast %get3A_240 : i32 to index
        %get3A_243 = arith.index_cast %mul3A_218 : i32 to index
        %get3A_244 = tpu.vector_load %arg11[%get3A_241, %get3A_242, %get3A_243] {strides = array<i32>} : memref<32x2x768xf32, #tpu.memory_space<vmem>>, vector<16xf32>,
        %mul3A_245 = arith.mulf %get3A_57, %get3A_244 : vector<16xf32>
        %add3A_246 = arith.addf %add3A_238, %mul3A_245 : vector<16xf32>
        %get3A_247 = arith.constant 3 : i32
        %get3A_248 = arith.constant 0 : i32
        %get3A_249 = arith.index_cast %get3A_247 : i32 to index
        %get3A_250 = arith.index_cast %get3A_248 : i32 to index
        %get3A_251 = arith.index_cast %mul3A_218 : i32 to index
        %get3A_252 = tpu.vector_load %arg11[%get3A_249, %get3A_250, %get3A_251] {strides = array<i32>} : memref<32x2x768xf32, #tpu.memory_space<vmem>>, vector<16xf32>,
        %mul3A_253 = arith.mulf %get3A_59, %get3A_252 : vector<16xf32>
        %add3A_254 = arith.addf %add3A_246, %mul3A_253 : vector<16xf32>
        %get3A_255 = arith.constant 4 : i32
        %get3A_256 = arith.constant 0 : i32
        %get3A_257 = arith.index_cast %get3A_255 : i32 to index
        %get3A_258 = arith.index_cast %get3A_256 : i32 to index
        %get3A_259 = arith.index_cast %mul3A_218 : i32 to index
        %get3A_260 = tpu.vector_load %arg11[%get3A_257, %get3A_258, %get3A_259] {strides = array<i32>} : memref<32x2x768xf32, #tpu.memory_space<vmem>>, vector<16xf32>,
        %mul3A_261 = arith.mulf %get3A_61, %get3A_260 : vector<16xf32>
        %add3A_262 = arith.addf %add3A_254, %mul3A_261 : vector<16xf32>
        %get3A_263 = arith.constant 5 : i32
        %get3A_264 = arith.constant 0 : i32
        %get3A_265 = arith.index_cast %get3A_263 : i32 to index
        %get3A_266 = arith.index_cast %get3A_264 : i32 to index
        %get3A_267 = arith.index_cast %mul3A_218 : i32 to index
        %get3A_268 = tpu.vector_load %arg11[%get3A_265, %get3A_266, %get3A_267] {strides = array<i32>} : memref<32x2x768xf32, #tpu.memory_space<vmem>>, vector<16xf32>,
        %mul3A_269 = arith.mulf %get3A_63, %get3A_268 : vector<16xf32>
        %add3A_270 = arith.addf %add3A_262, %mul3A_269 : vector<16xf32>
        %get3A_271 = arith.constant 6 : i32
        %get3A_272 = arith.constant 0 : i32
        %get3A_273 = arith.index_cast %get3A_271 : i32 to index
        %get3A_274 = arith.index_cast %get3A_272 : i32 to index
        %get3A_275 = arith.index_cast %mul3A_218 : i32 to index
        %get3A_276 = tpu.vector_load %arg11[%get3A_273, %get3A_274, %get3A_275] {strides = array<i32>} : memref<32x2x768xf32, #tpu.memory_space<vmem>>, vector<16xf32>,
        %mul3A_277 = arith.mulf %get3A_65, %get3A_276 : vector<16xf32>
        %add3A_278 = arith.addf %add3A_270, %mul3A_277 : vector<16xf32>
        %get3A_279 = arith.constant 7 : i32
        %get3A_280 = arith.constant 0 : i32
        %get3A_281 = arith.index_cast %get3A_279 : i32 to index
        %get3A_282 = arith.index_cast %get3A_280 : i32 to index
        %get3A_283 = arith.index_cast %mul3A_218 : i32 to index
        %get3A_284 = tpu.vector_load %arg11[%get3A_281, %get3A_282, %get3A_283] {strides = array<i32>} : memref<32x2x768xf32, #tpu.memory_space<vmem>>, vector<16xf32>,
        %mul3A_285 = arith.mulf %get3A_67, %get3A_284 : vector<16xf32>
        %add3A_286 = arith.addf %add3A_278, %mul3A_285 : vector<16xf32>
        %get3A_287 = arith.constant 8 : i32
        %get3A_288 = arith.constant 0 : i32
        %get3A_289 = arith.index_cast %get3A_287 : i32 to index
        %get3A_290 = arith.index_cast %get3A_288 : i32 to index
        %get3A_291 = arith.index_cast %mul3A_218 : i32 to index
        %get3A_292 = tpu.vector_load %arg11[%get3A_289, %get3A_290, %get3A_291] {strides = array<i32>} : memref<32x2x768xf32, #tpu.memory_space<vmem>>, vector<16xf32>,
        %mul3A_293 = arith.mulf %get3A_69, %get3A_292 : vector<16xf32>
        %add3A_294 = arith.addf %add3A_286, %mul3A_293 : vector<16xf32>
        %get3A_295 = arith.constant 9 : i32
        %get3A_296 = arith.constant 0 : i32
        %get3A_297 = arith.index_cast %get3A_295 : i32 to index
        %get3A_298 = arith.index_cast %get3A_296 : i32 to index
        %get3A_299 = arith.index_cast %mul3A_218 : i32 to index
        %get3A_300 = tpu.vector_load %arg11[%get3A_297, %get3A_298, %get3A_299] {strides = array<i32>} : memref<32x2x768xf32, #tpu.memory_space<vmem>>, vector<16xf32>,
        %mul3A_301 = arith.mulf %get3A_71, %get3A_300 : vector<16xf32>
        %add3A_302 = arith.addf %add3A_294, %mul3A_301 : vector<16xf32>
        %get3A_303 = arith.constant 10 : i32
        %get3A_304 = arith.constant 0 : i32
        %get3A_305 = arith.index_cast %get3A_303 : i32 to index
        %get3A_306 = arith.index_cast %get3A_304 : i32 to index
        %get3A_307 = arith.index_cast %mul3A_218 : i32 to index
        %get3A_308 = tpu.vector_load %arg11[%get3A_305, %get3A_306, %get3A_307] {strides = array<i32>} : memref<32x2x768xf32, #tpu.memory_space<vmem>>, vector<16xf32>,
        %mul3A_309 = arith.mulf %get3A_73, %get3A_308 : vector<16xf32>
        %add3A_310 = arith.addf %add3A_302, %mul3A_309 : vector<16xf32>
        %get3A_311 = arith.constant 11 : i32
        %get3A_312 = arith.constant 0 : i32
        %get3A_313 = arith.index_cast %get3A_311 : i32 to index
        %get3A_314 = arith.index_cast %get3A_312 : i32 to index
        %get3A_315 = arith.index_cast %mul3A_218 : i32 to index
        %get3A_316 = tpu.vector_load %arg11[%get3A_313, %get3A_314, %get3A_315] {strides = array<i32>} : memref<32x2x768xf32, #tpu.memory_space<vmem>>, vector<16xf32>,
        %mul3A_317 = arith.mulf %get3A_75, %get3A_316 : vector<16xf32>
        %add3A_318 = arith.addf %add3A_310, %mul3A_317 : vector<16xf32>
        %get3A_319 = arith.constant 12 : i32
        %get3A_320 = arith.constant 0 : i32
        %get3A_321 = arith.index_cast %get3A_319 : i32 to index
        %get3A_322 = arith.index_cast %get3A_320 : i32 to index
        %get3A_323 = arith.index_cast %mul3A_218 : i32 to index
        %get3A_324 = tpu.vector_load %arg11[%get3A_321, %get3A_322, %get3A_323] {strides = array<i32>} : memref<32x2x768xf32, #tpu.memory_space<vmem>>, vector<16xf32>,
        %mul3A_325 = arith.mulf %get3A_77, %get3A_324 : vector<16xf32>
        %add3A_326 = arith.addf %add3A_318, %mul3A_325 : vector<16xf32>
        %get3A_327 = arith.constant 13 : i32
        %get3A_328 = arith.constant 0 : i32
        %get3A_329 = arith.index_cast %get3A_327 : i32 to index
        %get3A_330 = arith.index_cast %get3A_328 : i32 to index
        %get3A_331 = arith.index_cast %mul3A_218 : i32 to index
        %get3A_332 = tpu.vector_load %arg11[%get3A_329, %get3A_330, %get3A_331] {strides = array<i32>} : memref<32x2x768xf32, #tpu.memory_space<vmem>>, vector<16xf32>,
        %mul3A_333 = arith.mulf %get3A_79, %get3A_332 : vector<16xf32>
        %add3A_334 = arith.addf %add3A_326, %mul3A_333 : vector<16xf32>
        %get3A_335 = arith.constant 14 : i32
        %get3A_336 = arith.constant 0 : i32
        %get3A_337 = arith.index_cast %get3A_335 : i32 to index
        %get3A_338 = arith.index_cast %get3A_336 : i32 to index
        %get3A_339 = arith.index_cast %mul3A_218 : i32 to index
        %get3A_340 = tpu.vector_load %arg11[%get3A_337, %get3A_338, %get3A_339] {strides = array<i32>} : memref<32x2x768xf32, #tpu.memory_space<vmem>>, vector<16xf32>,
        %mul3A_341 = arith.mulf %get3A_81, %get3A_340 : vector<16xf32>
        %add3A_342 = arith.addf %add3A_334, %mul3A_341 : vector<16xf32>
        %get3A_343 = arith.constant 15 : i32
        %get3A_344 = arith.constant 0 : i32
        %get3A_345 = arith.index_cast %get3A_343 : i32 to index
        %get3A_346 = arith.index_cast %get3A_344 : i32 to index
        %get3A_347 = arith.index_cast %mul3A_218 : i32 to index
        %get3A_348 = tpu.vector_load %arg11[%get3A_345, %get3A_346, %get3A_347] {strides = array<i32>} : memref<32x2x768xf32, #tpu.memory_space<vmem>>, vector<16xf32>,
        %mul3A_349 = arith.mulf %get3A_83, %get3A_348 : vector<16xf32>
        %add3A_350 = arith.addf %add3A_342, %mul3A_349 : vector<16xf32>
        %swap3A = arith.constant 0 : i32
        %swap3A_351 = arith.index_cast %swap3A : i32 to index
        %swap3A_352 = arith.index_cast %mul3A_218 : i32 to index
        %swap3A_353 = tpu.vector_load %arg12[%swap3A_351, %swap3A_352] {strides = array<i32>} : memref<2x768xf32, #tpu.memory_space<vmem>>, vector<16xf32>,
        tpu.vector_store %arg12[%swap3A_351, %swap3A_352], %add3A_350 {strides = array<i32>} : memref<2x768xf32, #tpu.memory_space<vmem>>, vector<16xf32>,
        %scan3A_354 = arith.constant 0 : i32
        scf.yield %scan3A_354 : i32
      }
      %scan3A_122 = arith.constant 48 : i32
      %scan3A_123 = arith.constant 0 : i32
      %scan3A_124 = arith.constant 0 : i32
      %scan3A_125 = arith.constant 48 : i32
      %scan3A_126 = arith.addi %scan3A_124, %scan3A_125 : i32
      %scan3A_127 = arith.constant 1 : i32
      %scan3A_128 = scf.for %scan3A_215 = %scan3A_124 to %scan3A_126 step %scan3A_127 iter_args(%scan3A_216 = %scan3A_123) -> (i32)  : i32 {
        %mul3A_217 = arith.constant 16 : i32
        %mul3A_218 = arith.muli %scan3A_215, %mul3A_217 : i32
        %get3A_219 = arith.constant 1 : i32
        %get3A_220 = arith.index_cast %get3A_219 : i32 to index
        %get3A_221 = arith.index_cast %mul3A_218 : i32 to index
        %get3A_222 = tpu.vector_load %arg13[%get3A_220, %get3A_221] {strides = array<i32>} : memref<2x768xf32, #tpu.memory_space<vmem>>, vector<16xf32>,
        %get3A_223 = arith.constant 0 : i32
        %get3A_224 = arith.constant 1 : i32
        %get3A_225 = arith.index_cast %get3A_223 : i32 to index
        %get3A_226 = arith.index_cast %get3A_224 : i32 to index
        %get3A_227 = arith.index_cast %mul3A_218 : i32 to index
        %get3A_228 = tpu.vector_load %arg11[%get3A_225, %get3A_226, %get3A_227] {strides = array<i32>} : memref<32x2x768xf32, #tpu.memory_space<vmem>>, vector<16xf32>,
        %mul3A_229 = arith.mulf %get3A_85, %get3A_228 : vector<16xf32>
        %add3A_230 = arith.addf %get3A_222, %mul3A_229 : vector<16xf32>
        %get3A_231 = arith.constant 1 : i32
        %get3A_232 = arith.constant 1 : i32
        %get3A_233 = arith.index_cast %get3A_231 : i32 to index
        %get3A_234 = arith.index_cast %get3A_232 : i32 to index
        %get3A_235 = arith.index_cast %mul3A_218 : i32 to index
        %get3A_236 = tpu.vector_load %arg11[%get3A_233, %get3A_234, %get3A_235] {strides = array<i32>} : memref<32x2x768xf32, #tpu.memory_space<vmem>>, vector<16xf32>,
        %mul3A_237 = arith.mulf %get3A_87, %get3A_236 : vector<16xf32>
        %add3A_238 = arith.addf %add3A_230, %mul3A_237 : vector<16xf32>
        %get3A_239 = arith.constant 2 : i32
        %get3A_240 = arith.constant 1 : i32
        %get3A_241 = arith.index_cast %get3A_239 : i32 to index
        %get3A_242 = arith.index_cast %get3A_240 : i32 to index
        %get3A_243 = arith.index_cast %mul3A_218 : i32 to index
        %get3A_244 = tpu.vector_load %arg11[%get3A_241, %get3A_242, %get3A_243] {strides = array<i32>} : memref<32x2x768xf32, #tpu.memory_space<vmem>>, vector<16xf32>,
        %mul3A_245 = arith.mulf %get3A_89, %get3A_244 : vector<16xf32>
        %add3A_246 = arith.addf %add3A_238, %mul3A_245 : vector<16xf32>
        %get3A_247 = arith.constant 3 : i32
        %get3A_248 = arith.constant 1 : i32
        %get3A_249 = arith.index_cast %get3A_247 : i32 to index
        %get3A_250 = arith.index_cast %get3A_248 : i32 to index
        %get3A_251 = arith.index_cast %mul3A_218 : i32 to index
        %get3A_252 = tpu.vector_load %arg11[%get3A_249, %get3A_250, %get3A_251] {strides = array<i32>} : memref<32x2x768xf32, #tpu.memory_space<vmem>>, vector<16xf32>,
        %mul3A_253 = arith.mulf %get3A_91, %get3A_252 : vector<16xf32>
        %add3A_254 = arith.addf %add3A_246, %mul3A_253 : vector<16xf32>
        %get3A_255 = arith.constant 4 : i32
        %get3A_256 = arith.constant 1 : i32
        %get3A_257 = arith.index_cast %get3A_255 : i32 to index
        %get3A_258 = arith.index_cast %get3A_256 : i32 to index
        %get3A_259 = arith.index_cast %mul3A_218 : i32 to index
        %get3A_260 = tpu.vector_load %arg11[%get3A_257, %get3A_258, %get3A_259] {strides = array<i32>} : memref<32x2x768xf32, #tpu.memory_space<vmem>>, vector<16xf32>,
        %mul3A_261 = arith.mulf %get3A_93, %get3A_260 : vector<16xf32>
        %add3A_262 = arith.addf %add3A_254, %mul3A_261 : vector<16xf32>
        %get3A_263 = arith.constant 5 : i32
        %get3A_264 = arith.constant 1 : i32
        %get3A_265 = arith.index_cast %get3A_263 : i32 to index
        %get3A_266 = arith.index_cast %get3A_264 : i32 to index
        %get3A_267 = arith.index_cast %mul3A_218 : i32 to index
        %get3A_268 = tpu.vector_load %arg11[%get3A_265, %get3A_266, %get3A_267] {strides = array<i32>} : memref<32x2x768xf32, #tpu.memory_space<vmem>>, vector<16xf32>,
        %mul3A_269 = arith.mulf %get3A_95, %get3A_268 : vector<16xf32>
        %add3A_270 = arith.addf %add3A_262, %mul3A_269 : vector<16xf32>
        %get3A_271 = arith.constant 6 : i32
        %get3A_272 = arith.constant 1 : i32
        %get3A_273 = arith.index_cast %get3A_271 : i32 to index
        %get3A_274 = arith.index_cast %get3A_272 : i32 to index
        %get3A_275 = arith.index_cast %mul3A_218 : i32 to index
        %get3A_276 = tpu.vector_load %arg11[%get3A_273, %get3A_274, %get3A_275] {strides = array<i32>} : memref<32x2x768xf32, #tpu.memory_space<vmem>>, vector<16xf32>,
        %mul3A_277 = arith.mulf %get3A_97, %get3A_276 : vector<16xf32>
        %add3A_278 = arith.addf %add3A_270, %mul3A_277 : vector<16xf32>
        %get3A_279 = arith.constant 7 : i32
        %get3A_280 = arith.constant 1 : i32
        %get3A_281 = arith.index_cast %get3A_279 : i32 to index
        %get3A_282 = arith.index_cast %get3A_280 : i32 to index
        %get3A_283 = arith.index_cast %mul3A_218 : i32 to index
        %get3A_284 = tpu.vector_load %arg11[%get3A_281, %get3A_282, %get3A_283] {strides = array<i32>} : memref<32x2x768xf32, #tpu.memory_space<vmem>>, vector<16xf32>,
        %mul3A_285 = arith.mulf %get3A_99, %get3A_284 : vector<16xf32>
        %add3A_286 = arith.addf %add3A_278, %mul3A_285 : vector<16xf32>
        %get3A_287 = arith.constant 8 : i32
        %get3A_288 = arith.constant 1 : i32
        %get3A_289 = arith.index_cast %get3A_287 : i32 to index
        %get3A_290 = arith.index_cast %get3A_288 : i32 to index
        %get3A_291 = arith.index_cast %mul3A_218 : i32 to index
        %get3A_292 = tpu.vector_load %arg11[%get3A_289, %get3A_290, %get3A_291] {strides = array<i32>} : memref<32x2x768xf32, #tpu.memory_space<vmem>>, vector<16xf32>,
        %mul3A_293 = arith.mulf %get3A_101, %get3A_292 : vector<16xf32>
        %add3A_294 = arith.addf %add3A_286, %mul3A_293 : vector<16xf32>
        %get3A_295 = arith.constant 9 : i32
        %get3A_296 = arith.constant 1 : i32
        %get3A_297 = arith.index_cast %get3A_295 : i32 to index
        %get3A_298 = arith.index_cast %get3A_296 : i32 to index
        %get3A_299 = arith.index_cast %mul3A_218 : i32 to index
        %get3A_300 = tpu.vector_load %arg11[%get3A_297, %get3A_298, %get3A_299] {strides = array<i32>} : memref<32x2x768xf32, #tpu.memory_space<vmem>>, vector<16xf32>,
        %mul3A_301 = arith.mulf %get3A_103, %get3A_300 : vector<16xf32>
        %add3A_302 = arith.addf %add3A_294, %mul3A_301 : vector<16xf32>
        %get3A_303 = arith.constant 10 : i32
        %get3A_304 = arith.constant 1 : i32
        %get3A_305 = arith.index_cast %get3A_303 : i32 to index
        %get3A_306 = arith.index_cast %get3A_304 : i32 to index
        %get3A_307 = arith.index_cast %mul3A_218 : i32 to index
        %get3A_308 = tpu.vector_load %arg11[%get3A_305, %get3A_306, %get3A_307] {strides = array<i32>} : memref<32x2x768xf32, #tpu.memory_space<vmem>>, vector<16xf32>,
        %mul3A_309 = arith.mulf %get3A_105, %get3A_308 : vector<16xf32>
        %add3A_310 = arith.addf %add3A_302, %mul3A_309 : vector<16xf32>
        %get3A_311 = arith.constant 11 : i32
        %get3A_312 = arith.constant 1 : i32
        %get3A_313 = arith.index_cast %get3A_311 : i32 to index
        %get3A_314 = arith.index_cast %get3A_312 : i32 to index
        %get3A_315 = arith.index_cast %mul3A_218 : i32 to index
        %get3A_316 = tpu.vector_load %arg11[%get3A_313, %get3A_314, %get3A_315] {strides = array<i32>} : memref<32x2x768xf32, #tpu.memory_space<vmem>>, vector<16xf32>,
        %mul3A_317 = arith.mulf %get3A_107, %get3A_316 : vector<16xf32>
        %add3A_318 = arith.addf %add3A_310, %mul3A_317 : vector<16xf32>
        %get3A_319 = arith.constant 12 : i32
        %get3A_320 = arith.constant 1 : i32
        %get3A_321 = arith.index_cast %get3A_319 : i32 to index
        %get3A_322 = arith.index_cast %get3A_320 : i32 to index
        %get3A_323 = arith.index_cast %mul3A_218 : i32 to index
        %get3A_324 = tpu.vector_load %arg11[%get3A_321, %get3A_322, %get3A_323] {strides = array<i32>} : memref<32x2x768xf32, #tpu.memory_space<vmem>>, vector<16xf32>,
        %mul3A_325 = arith.mulf %get3A_109, %get3A_324 : vector<16xf32>
        %add3A_326 = arith.addf %add3A_318, %mul3A_325 : vector<16xf32>
        %get3A_327 = arith.constant 13 : i32
        %get3A_328 = arith.constant 1 : i32
        %get3A_329 = arith.index_cast %get3A_327 : i32 to index
        %get3A_330 = arith.index_cast %get3A_328 : i32 to index
        %get3A_331 = arith.index_cast %mul3A_218 : i32 to index
        %get3A_332 = tpu.vector_load %arg11[%get3A_329, %get3A_330, %get3A_331] {strides = array<i32>} : memref<32x2x768xf32, #tpu.memory_space<vmem>>, vector<16xf32>,
        %mul3A_333 = arith.mulf %get3A_111, %get3A_332 : vector<16xf32>
        %add3A_334 = arith.addf %add3A_326, %mul3A_333 : vector<16xf32>
        %get3A_335 = arith.constant 14 : i32
        %get3A_336 = arith.constant 1 : i32
        %get3A_337 = arith.index_cast %get3A_335 : i32 to index
        %get3A_338 = arith.index_cast %get3A_336 : i32 to index
        %get3A_339 = arith.index_cast %mul3A_218 : i32 to index
        %get3A_340 = tpu.vector_load %arg11[%get3A_337, %get3A_338, %get3A_339] {strides = array<i32>} : memref<32x2x768xf32, #tpu.memory_space<vmem>>, vector<16xf32>,
        %mul3A_341 = arith.mulf %get3A_113, %get3A_340 : vector<16xf32>
        %add3A_342 = arith.addf %add3A_334, %mul3A_341 : vector<16xf32>
        %get3A_343 = arith.constant 15 : i32
        %get3A_344 = arith.constant 1 : i32
        %get3A_345 = arith.index_cast %get3A_343 : i32 to index
        %get3A_346 = arith.index_cast %get3A_344 : i32 to index
        %get3A_347 = arith.index_cast %mul3A_218 : i32 to index
        %get3A_348 = tpu.vector_load %arg11[%get3A_345, %get3A_346, %get3A_347] {strides = array<i32>} : memref<32x2x768xf32, #tpu.memory_space<vmem>>, vector<16xf32>,
        %mul3A_349 = arith.mulf %get3A_115, %get3A_348 : vector<16xf32>
        %add3A_350 = arith.addf %add3A_342, %mul3A_349 : vector<16xf32>
        %swap3A = arith.constant 1 : i32
        %swap3A_351 = arith.index_cast %swap3A : i32 to index
        %swap3A_352 = arith.index_cast %mul3A_218 : i32 to index
        %swap3A_353 = tpu.vector_load %arg12[%swap3A_351, %swap3A_352] {strides = array<i32>} : memref<2x768xf32, #tpu.memory_space<vmem>>, vector<16xf32>,
        tpu.vector_store %arg12[%swap3A_351, %swap3A_352], %add3A_350 {strides = array<i32>} : memref<2x768xf32, #tpu.memory_space<vmem>>, vector<16xf32>,
        %scan3A_354 = arith.constant 0 : i32
        scf.yield %scan3A_354 : i32
      }
      %scan3A_129 = arith.constant 48 : i32
      %get3A_130 = arith.constant 256 : index
      %get3A_131 = tpu.vector_load %arg16[%get3A_130] {strides = array<i32>} : memref<512xf32, #tpu.memory_space<vmem>>, vector<16xf32>,
      %get3A_132 = arith.constant 272 : index
      %get3A_133 = tpu.vector_load %arg16[%get3A_132] {strides = array<i32>} : memref<512xf32, #tpu.memory_space<vmem>>, vector<16xf32>,
      %get3A_134 = arith.constant 288 : index
      %get3A_135 = tpu.vector_load %arg16[%get3A_134] {strides = array<i32>} : memref<512xf32, #tpu.memory_space<vmem>>, vector<16xf32>,
      %get3A_136 = arith.constant 304 : index
      %get3A_137 = tpu.vector_load %arg16[%get3A_136] {strides = array<i32>} : memref<512xf32, #tpu.memory_space<vmem>>, vector<16xf32>,
      %get3A_138 = arith.constant 320 : index
      %get3A_139 = tpu.vector_load %arg16[%get3A_138] {strides = array<i32>} : memref<512xf32, #tpu.memory_space<vmem>>, vector<16xf32>,
      %get3A_140 = arith.constant 336 : index
      %get3A_141 = tpu.vector_load %arg16[%get3A_140] {strides = array<i32>} : memref<512xf32, #tpu.memory_space<vmem>>, vector<16xf32>,
      %get3A_142 = arith.constant 352 : index
      %get3A_143 = tpu.vector_load %arg16[%get3A_142] {strides = array<i32>} : memref<512xf32, #tpu.memory_space<vmem>>, vector<16xf32>,
      %get3A_144 = arith.constant 368 : index
      %get3A_145 = tpu.vector_load %arg16[%get3A_144] {strides = array<i32>} : memref<512xf32, #tpu.memory_space<vmem>>, vector<16xf32>,
      %get3A_146 = arith.constant 384 : index
      %get3A_147 = tpu.vector_load %arg16[%get3A_146] {strides = array<i32>} : memref<512xf32, #tpu.memory_space<vmem>>, vector<16xf32>,
      %get3A_148 = arith.constant 400 : index
      %get3A_149 = tpu.vector_load %arg16[%get3A_148] {strides = array<i32>} : memref<512xf32, #tpu.memory_space<vmem>>, vector<16xf32>,
      %get3A_150 = arith.constant 416 : index
      %get3A_151 = tpu.vector_load %arg16[%get3A_150] {strides = array<i32>} : memref<512xf32, #tpu.memory_space<vmem>>, vector<16xf32>,
      %get3A_152 = arith.constant 432 : index
      %get3A_153 = tpu.vector_load %arg16[%get3A_152] {strides = array<i32>} : memref<512xf32, #tpu.memory_space<vmem>>, vector<16xf32>,
      %get3A_154 = arith.constant 448 : index
      %get3A_155 = tpu.vector_load %arg16[%get3A_154] {strides = array<i32>} : memref<512xf32, #tpu.memory_space<vmem>>, vector<16xf32>,
      %get3A_156 = arith.constant 464 : index
      %get3A_157 = tpu.vector_load %arg16[%get3A_156] {strides = array<i32>} : memref<512xf32, #tpu.memory_space<vmem>>, vector<16xf32>,
      %get3A_158 = arith.constant 480 : index
      %get3A_159 = tpu.vector_load %arg16[%get3A_158] {strides = array<i32>} : memref<512xf32, #tpu.memory_space<vmem>>, vector<16xf32>,
      %get3A_160 = arith.constant 496 : index
      %get3A_161 = tpu.vector_load %arg16[%get3A_160] {strides = array<i32>} : memref<512xf32, #tpu.memory_space<vmem>>, vector<16xf32>,
      %get3A_162 = arith.constant 256 : index
      %get3A_163 = tpu.vector_load %arg17[%get3A_162] {strides = array<i32>} : memref<512xf32, #tpu.memory_space<vmem>>, vector<16xf32>,
      %get3A_164 = arith.constant 272 : index
      %get3A_165 = tpu.vector_load %arg17[%get3A_164] {strides = array<i32>} : memref<512xf32, #tpu.memory_space<vmem>>, vector<16xf32>,
      %get3A_166 = arith.constant 288 : index
      %get3A_167 = tpu.vector_load %arg17[%get3A_166] {strides = array<i32>} : memref<512xf32, #tpu.memory_space<vmem>>, vector<16xf32>,
      %get3A_168 = arith.constant 304 : index
      %get3A_169 = tpu.vector_load %arg17[%get3A_168] {strides = array<i32>} : memref<512xf32, #tpu.memory_space<vmem>>, vector<16xf32>,
      %get3A_170 = arith.constant 320 : index
      %get3A_171 = tpu.vector_load %arg17[%get3A_170] {strides = array<i32>} : memref<512xf32, #tpu.memory_space<vmem>>, vector<16xf32>,
      %get3A_172 = arith.constant 336 : index
      %get3A_173 = tpu.vector_load %arg17[%get3A_172] {strides = array<i32>} : memref<512xf32, #tpu.memory_space<vmem>>, vector<16xf32>,
      %get3A_174 = arith.constant 352 : index
      %get3A_175 = tpu.vector_load %arg17[%get3A_174] {strides = array<i32>} : memref<512xf32, #tpu.memory_space<vmem>>, vector<16xf32>,
      %get3A_176 = arith.constant 368 : index
      %get3A_177 = tpu.vector_load %arg17[%get3A_176] {strides = array<i32>} : memref<512xf32, #tpu.memory_space<vmem>>, vector<16xf32>,
      %get3A_178 = arith.constant 384 : index
      %get3A_179 = tpu.vector_load %arg17[%get3A_178] {strides = array<i32>} : memref<512xf32, #tpu.memory_space<vmem>>, vector<16xf32>,
      %get3A_180 = arith.constant 400 : index
      %get3A_181 = tpu.vector_load %arg17[%get3A_180] {strides = array<i32>} : memref<512xf32, #tpu.memory_space<vmem>>, vector<16xf32>,
      %get3A_182 = arith.constant 416 : index
      %get3A_183 = tpu.vector_load %arg17[%get3A_182] {strides = array<i32>} : memref<512xf32, #tpu.memory_space<vmem>>, vector<16xf32>,
      %get3A_184 = arith.constant 432 : index
      %get3A_185 = tpu.vector_load %arg17[%get3A_184] {strides = array<i32>} : memref<512xf32, #tpu.memory_space<vmem>>, vector<16xf32>,
      %get3A_186 = arith.constant 448 : index
      %get3A_187 = tpu.vector_load %arg17[%get3A_186] {strides = array<i32>} : memref<512xf32, #tpu.memory_space<vmem>>, vector<16xf32>,
      %get3A_188 = arith.constant 464 : index
      %get3A_189 = tpu.vector_load %arg17[%get3A_188] {strides = array<i32>} : memref<512xf32, #tpu.memory_space<vmem>>, vector<16xf32>,
      %get3A_190 = arith.constant 480 : index
      %get3A_191 = tpu.vector_load %arg17[%get3A_190] {strides = array<i32>} : memref<512xf32, #tpu.memory_space<vmem>>, vector<16xf32>,
      %get3A_192 = arith.constant 496 : index
      %get3A_193 = tpu.vector_load %arg17[%get3A_192] {strides = array<i32>} : memref<512xf32, #tpu.memory_space<vmem>>, vector<16xf32>,
      %scan3A_194 = arith.constant 0 : i32
      %scan3A_195 = arith.constant 0 : i32
      %scan3A_196 = arith.constant 48 : i32
      %scan3A_197 = arith.addi %scan3A_195, %scan3A_196 : i32
      %scan3A_198 = arith.constant 1 : i32
      %scan3A_199 = scf.for %scan3A_215 = %scan3A_195 to %scan3A_197 step %scan3A_198 iter_args(%scan3A_216 = %scan3A_194) -> (i32)  : i32 {
        %mul3A_217 = arith.constant 16 : i32
        %mul3A_218 = arith.muli %scan3A_215, %mul3A_217 : i32
        %get3A_219 = arith.constant 0 : i32
        %get3A_220 = arith.index_cast %get3A_219 : i32 to index
        %get3A_221 = arith.index_cast %mul3A_218 : i32 to index
        %get3A_222 = tpu.vector_load %arg12[%get3A_220, %get3A_221] {strides = array<i32>} : memref<2x768xf32, #tpu.memory_space<vmem>>, vector<16xf32>,
        %get3A_223 = arith.constant 16 : i32
        %get3A_224 = arith.constant 0 : i32
        %get3A_225 = arith.index_cast %get3A_223 : i32 to index
        %get3A_226 = arith.index_cast %get3A_224 : i32 to index
        %get3A_227 = arith.index_cast %mul3A_218 : i32 to index
        %get3A_228 = tpu.vector_load %arg11[%get3A_225, %get3A_226, %get3A_227] {strides = array<i32>} : memref<32x2x768xf32, #tpu.memory_space<vmem>>, vector<16xf32>,
        %mul3A_229 = arith.mulf %get3A_131, %get3A_228 : vector<16xf32>
        %add3A_230 = arith.addf %get3A_222, %mul3A_229 : vector<16xf32>
        %get3A_231 = arith.constant 17 : i32
        %get3A_232 = arith.constant 0 : i32
        %get3A_233 = arith.index_cast %get3A_231 : i32 to index
        %get3A_234 = arith.index_cast %get3A_232 : i32 to index
        %get3A_235 = arith.index_cast %mul3A_218 : i32 to index
        %get3A_236 = tpu.vector_load %arg11[%get3A_233, %get3A_234, %get3A_235] {strides = array<i32>} : memref<32x2x768xf32, #tpu.memory_space<vmem>>, vector<16xf32>,
        %mul3A_237 = arith.mulf %get3A_133, %get3A_236 : vector<16xf32>
        %add3A_238 = arith.addf %add3A_230, %mul3A_237 : vector<16xf32>
        %get3A_239 = arith.constant 18 : i32
        %get3A_240 = arith.constant 0 : i32
        %get3A_241 = arith.index_cast %get3A_239 : i32 to index
        %get3A_242 = arith.index_cast %get3A_240 : i32 to index
        %get3A_243 = arith.index_cast %mul3A_218 : i32 to index
        %get3A_244 = tpu.vector_load %arg11[%get3A_241, %get3A_242, %get3A_243] {strides = array<i32>} : memref<32x2x768xf32, #tpu.memory_space<vmem>>, vector<16xf32>,
        %mul3A_245 = arith.mulf %get3A_135, %get3A_244 : vector<16xf32>
        %add3A_246 = arith.addf %add3A_238, %mul3A_245 : vector<16xf32>
        %get3A_247 = arith.constant 19 : i32
        %get3A_248 = arith.constant 0 : i32
        %get3A_249 = arith.index_cast %get3A_247 : i32 to index
        %get3A_250 = arith.index_cast %get3A_248 : i32 to index
        %get3A_251 = arith.index_cast %mul3A_218 : i32 to index
        %get3A_252 = tpu.vector_load %arg11[%get3A_249, %get3A_250, %get3A_251] {strides = array<i32>} : memref<32x2x768xf32, #tpu.memory_space<vmem>>, vector<16xf32>,
        %mul3A_253 = arith.mulf %get3A_137, %get3A_252 : vector<16xf32>
        %add3A_254 = arith.addf %add3A_246, %mul3A_253 : vector<16xf32>
        %get3A_255 = arith.constant 20 : i32
        %get3A_256 = arith.constant 0 : i32
        %get3A_257 = arith.index_cast %get3A_255 : i32 to index
        %get3A_258 = arith.index_cast %get3A_256 : i32 to index
        %get3A_259 = arith.index_cast %mul3A_218 : i32 to index
        %get3A_260 = tpu.vector_load %arg11[%get3A_257, %get3A_258, %get3A_259] {strides = array<i32>} : memref<32x2x768xf32, #tpu.memory_space<vmem>>, vector<16xf32>,
        %mul3A_261 = arith.mulf %get3A_139, %get3A_260 : vector<16xf32>
        %add3A_262 = arith.addf %add3A_254, %mul3A_261 : vector<16xf32>
        %get3A_263 = arith.constant 21 : i32
        %get3A_264 = arith.constant 0 : i32
        %get3A_265 = arith.index_cast %get3A_263 : i32 to index
        %get3A_266 = arith.index_cast %get3A_264 : i32 to index
        %get3A_267 = arith.index_cast %mul3A_218 : i32 to index
        %get3A_268 = tpu.vector_load %arg11[%get3A_265, %get3A_266, %get3A_267] {strides = array<i32>} : memref<32x2x768xf32, #tpu.memory_space<vmem>>, vector<16xf32>,
        %mul3A_269 = arith.mulf %get3A_141, %get3A_268 : vector<16xf32>
        %add3A_270 = arith.addf %add3A_262, %mul3A_269 : vector<16xf32>
        %get3A_271 = arith.constant 22 : i32
        %get3A_272 = arith.constant 0 : i32
        %get3A_273 = arith.index_cast %get3A_271 : i32 to index
        %get3A_274 = arith.index_cast %get3A_272 : i32 to index
        %get3A_275 = arith.index_cast %mul3A_218 : i32 to index
        %get3A_276 = tpu.vector_load %arg11[%get3A_273, %get3A_274, %get3A_275] {strides = array<i32>} : memref<32x2x768xf32, #tpu.memory_space<vmem>>, vector<16xf32>,
        %mul3A_277 = arith.mulf %get3A_143, %get3A_276 : vector<16xf32>
        %add3A_278 = arith.addf %add3A_270, %mul3A_277 : vector<16xf32>
        %get3A_279 = arith.constant 23 : i32
        %get3A_280 = arith.constant 0 : i32
        %get3A_281 = arith.index_cast %get3A_279 : i32 to index
        %get3A_282 = arith.index_cast %get3A_280 : i32 to index
        %get3A_283 = arith.index_cast %mul3A_218 : i32 to index
        %get3A_284 = tpu.vector_load %arg11[%get3A_281, %get3A_282, %get3A_283] {strides = array<i32>} : memref<32x2x768xf32, #tpu.memory_space<vmem>>, vector<16xf32>,
        %mul3A_285 = arith.mulf %get3A_145, %get3A_284 : vector<16xf32>
        %add3A_286 = arith.addf %add3A_278, %mul3A_285 : vector<16xf32>
        %get3A_287 = arith.constant 24 : i32
        %get3A_288 = arith.constant 0 : i32
        %get3A_289 = arith.index_cast %get3A_287 : i32 to index
        %get3A_290 = arith.index_cast %get3A_288 : i32 to index
        %get3A_291 = arith.index_cast %mul3A_218 : i32 to index
        %get3A_292 = tpu.vector_load %arg11[%get3A_289, %get3A_290, %get3A_291] {strides = array<i32>} : memref<32x2x768xf32, #tpu.memory_space<vmem>>, vector<16xf32>,
        %mul3A_293 = arith.mulf %get3A_147, %get3A_292 : vector<16xf32>
        %add3A_294 = arith.addf %add3A_286, %mul3A_293 : vector<16xf32>
        %get3A_295 = arith.constant 25 : i32
        %get3A_296 = arith.constant 0 : i32
        %get3A_297 = arith.index_cast %get3A_295 : i32 to index
        %get3A_298 = arith.index_cast %get3A_296 : i32 to index
        %get3A_299 = arith.index_cast %mul3A_218 : i32 to index
        %get3A_300 = tpu.vector_load %arg11[%get3A_297, %get3A_298, %get3A_299] {strides = array<i32>} : memref<32x2x768xf32, #tpu.memory_space<vmem>>, vector<16xf32>,
        %mul3A_301 = arith.mulf %get3A_149, %get3A_300 : vector<16xf32>
        %add3A_302 = arith.addf %add3A_294, %mul3A_301 : vector<16xf32>
        %get3A_303 = arith.constant 26 : i32
        %get3A_304 = arith.constant 0 : i32
        %get3A_305 = arith.index_cast %get3A_303 : i32 to index
        %get3A_306 = arith.index_cast %get3A_304 : i32 to index
        %get3A_307 = arith.index_cast %mul3A_218 : i32 to index
        %get3A_308 = tpu.vector_load %arg11[%get3A_305, %get3A_306, %get3A_307] {strides = array<i32>} : memref<32x2x768xf32, #tpu.memory_space<vmem>>, vector<16xf32>,
        %mul3A_309 = arith.mulf %get3A_151, %get3A_308 : vector<16xf32>
        %add3A_310 = arith.addf %add3A_302, %mul3A_309 : vector<16xf32>
        %get3A_311 = arith.constant 27 : i32
        %get3A_312 = arith.constant 0 : i32
        %get3A_313 = arith.index_cast %get3A_311 : i32 to index
        %get3A_314 = arith.index_cast %get3A_312 : i32 to index
        %get3A_315 = arith.index_cast %mul3A_218 : i32 to index
        %get3A_316 = tpu.vector_load %arg11[%get3A_313, %get3A_314, %get3A_315] {strides = array<i32>} : memref<32x2x768xf32, #tpu.memory_space<vmem>>, vector<16xf32>,
        %mul3A_317 = arith.mulf %get3A_153, %get3A_316 : vector<16xf32>
        %add3A_318 = arith.addf %add3A_310, %mul3A_317 : vector<16xf32>
        %get3A_319 = arith.constant 28 : i32
        %get3A_320 = arith.constant 0 : i32
        %get3A_321 = arith.index_cast %get3A_319 : i32 to index
        %get3A_322 = arith.index_cast %get3A_320 : i32 to index
        %get3A_323 = arith.index_cast %mul3A_218 : i32 to index
        %get3A_324 = tpu.vector_load %arg11[%get3A_321, %get3A_322, %get3A_323] {strides = array<i32>} : memref<32x2x768xf32, #tpu.memory_space<vmem>>, vector<16xf32>,
        %mul3A_325 = arith.mulf %get3A_155, %get3A_324 : vector<16xf32>
        %add3A_326 = arith.addf %add3A_318, %mul3A_325 : vector<16xf32>
        %get3A_327 = arith.constant 29 : i32
        %get3A_328 = arith.constant 0 : i32
        %get3A_329 = arith.index_cast %get3A_327 : i32 to index
        %get3A_330 = arith.index_cast %get3A_328 : i32 to index
        %get3A_331 = arith.index_cast %mul3A_218 : i32 to index
        %get3A_332 = tpu.vector_load %arg11[%get3A_329, %get3A_330, %get3A_331] {strides = array<i32>} : memref<32x2x768xf32, #tpu.memory_space<vmem>>, vector<16xf32>,
        %mul3A_333 = arith.mulf %get3A_157, %get3A_332 : vector<16xf32>
        %add3A_334 = arith.addf %add3A_326, %mul3A_333 : vector<16xf32>
        %get3A_335 = arith.constant 30 : i32
        %get3A_336 = arith.constant 0 : i32
        %get3A_337 = arith.index_cast %get3A_335 : i32 to index
        %get3A_338 = arith.index_cast %get3A_336 : i32 to index
        %get3A_339 = arith.index_cast %mul3A_218 : i32 to index
        %get3A_340 = tpu.vector_load %arg11[%get3A_337, %get3A_338, %get3A_339] {strides = array<i32>} : memref<32x2x768xf32, #tpu.memory_space<vmem>>, vector<16xf32>,
        %mul3A_341 = arith.mulf %get3A_159, %get3A_340 : vector<16xf32>
        %add3A_342 = arith.addf %add3A_334, %mul3A_341 : vector<16xf32>
        %get3A_343 = arith.constant 31 : i32
        %get3A_344 = arith.constant 0 : i32
        %get3A_345 = arith.index_cast %get3A_343 : i32 to index
        %get3A_346 = arith.index_cast %get3A_344 : i32 to index
        %get3A_347 = arith.index_cast %mul3A_218 : i32 to index
        %get3A_348 = tpu.vector_load %arg11[%get3A_345, %get3A_346, %get3A_347] {strides = array<i32>} : memref<32x2x768xf32, #tpu.memory_space<vmem>>, vector<16xf32>,
        %mul3A_349 = arith.mulf %get3A_161, %get3A_348 : vector<16xf32>
        %add3A_350 = arith.addf %add3A_342, %mul3A_349 : vector<16xf32>
        %swap3A = arith.constant 0 : i32
        %swap3A_351 = arith.index_cast %swap3A : i32 to index
        %swap3A_352 = arith.index_cast %mul3A_218 : i32 to index
        %swap3A_353 = tpu.vector_load %arg12[%swap3A_351, %swap3A_352] {strides = array<i32>} : memref<2x768xf32, #tpu.memory_space<vmem>>, vector<16xf32>,
        tpu.vector_store %arg12[%swap3A_351, %swap3A_352], %add3A_350 {strides = array<i32>} : memref<2x768xf32, #tpu.memory_space<vmem>>, vector<16xf32>,
        %scan3A_354 = arith.constant 0 : i32
        scf.yield %scan3A_354 : i32
      }
      %scan3A_200 = arith.constant 48 : i32
      %scan3A_201 = arith.constant 0 : i32
      %scan3A_202 = arith.constant 0 : i32
      %scan3A_203 = arith.constant 48 : i32
      %scan3A_204 = arith.addi %scan3A_202, %scan3A_203 : i32
      %scan3A_205 = arith.constant 1 : i32
      %scan3A_206 = scf.for %scan3A_215 = %scan3A_202 to %scan3A_204 step %scan3A_205 iter_args(%scan3A_216 = %scan3A_201) -> (i32)  : i32 {
        %mul3A_217 = arith.constant 16 : i32
        %mul3A_218 = arith.muli %scan3A_215, %mul3A_217 : i32
        %get3A_219 = arith.constant 1 : i32
        %get3A_220 = arith.index_cast %get3A_219 : i32 to index
        %get3A_221 = arith.index_cast %mul3A_218 : i32 to index
        %get3A_222 = tpu.vector_load %arg12[%get3A_220, %get3A_221] {strides = array<i32>} : memref<2x768xf32, #tpu.memory_space<vmem>>, vector<16xf32>,
        %get3A_223 = arith.constant 16 : i32
        %get3A_224 = arith.constant 1 : i32
        %get3A_225 = arith.index_cast %get3A_223 : i32 to index
        %get3A_226 = arith.index_cast %get3A_224 : i32 to index
        %get3A_227 = arith.index_cast %mul3A_218 : i32 to index
        %get3A_228 = tpu.vector_load %arg11[%get3A_225, %get3A_226, %get3A_227] {strides = array<i32>} : memref<32x2x768xf32, #tpu.memory_space<vmem>>, vector<16xf32>,
        %mul3A_229 = arith.mulf %get3A_163, %get3A_228 : vector<16xf32>
        %add3A_230 = arith.addf %get3A_222, %mul3A_229 : vector<16xf32>
        %get3A_231 = arith.constant 17 : i32
        %get3A_232 = arith.constant 1 : i32
        %get3A_233 = arith.index_cast %get3A_231 : i32 to index
        %get3A_234 = arith.index_cast %get3A_232 : i32 to index
        %get3A_235 = arith.index_cast %mul3A_218 : i32 to index
        %get3A_236 = tpu.vector_load %arg11[%get3A_233, %get3A_234, %get3A_235] {strides = array<i32>} : memref<32x2x768xf32, #tpu.memory_space<vmem>>, vector<16xf32>,
        %mul3A_237 = arith.mulf %get3A_165, %get3A_236 : vector<16xf32>
        %add3A_238 = arith.addf %add3A_230, %mul3A_237 : vector<16xf32>
        %get3A_239 = arith.constant 18 : i32
        %get3A_240 = arith.constant 1 : i32
        %get3A_241 = arith.index_cast %get3A_239 : i32 to index
        %get3A_242 = arith.index_cast %get3A_240 : i32 to index
        %get3A_243 = arith.index_cast %mul3A_218 : i32 to index
        %get3A_244 = tpu.vector_load %arg11[%get3A_241, %get3A_242, %get3A_243] {strides = array<i32>} : memref<32x2x768xf32, #tpu.memory_space<vmem>>, vector<16xf32>,
        %mul3A_245 = arith.mulf %get3A_167, %get3A_244 : vector<16xf32>
        %add3A_246 = arith.addf %add3A_238, %mul3A_245 : vector<16xf32>
        %get3A_247 = arith.constant 19 : i32
        %get3A_248 = arith.constant 1 : i32
        %get3A_249 = arith.index_cast %get3A_247 : i32 to index
        %get3A_250 = arith.index_cast %get3A_248 : i32 to index
        %get3A_251 = arith.index_cast %mul3A_218 : i32 to index
        %get3A_252 = tpu.vector_load %arg11[%get3A_249, %get3A_250, %get3A_251] {strides = array<i32>} : memref<32x2x768xf32, #tpu.memory_space<vmem>>, vector<16xf32>,
        %mul3A_253 = arith.mulf %get3A_169, %get3A_252 : vector<16xf32>
        %add3A_254 = arith.addf %add3A_246, %mul3A_253 : vector<16xf32>
        %get3A_255 = arith.constant 20 : i32
        %get3A_256 = arith.constant 1 : i32
        %get3A_257 = arith.index_cast %get3A_255 : i32 to index
        %get3A_258 = arith.index_cast %get3A_256 : i32 to index
        %get3A_259 = arith.index_cast %mul3A_218 : i32 to index
        %get3A_260 = tpu.vector_load %arg11[%get3A_257, %get3A_258, %get3A_259] {strides = array<i32>} : memref<32x2x768xf32, #tpu.memory_space<vmem>>, vector<16xf32>,
        %mul3A_261 = arith.mulf %get3A_171, %get3A_260 : vector<16xf32>
        %add3A_262 = arith.addf %add3A_254, %mul3A_261 : vector<16xf32>
        %get3A_263 = arith.constant 21 : i32
        %get3A_264 = arith.constant 1 : i32
        %get3A_265 = arith.index_cast %get3A_263 : i32 to index
        %get3A_266 = arith.index_cast %get3A_264 : i32 to index
        %get3A_267 = arith.index_cast %mul3A_218 : i32 to index
        %get3A_268 = tpu.vector_load %arg11[%get3A_265, %get3A_266, %get3A_267] {strides = array<i32>} : memref<32x2x768xf32, #tpu.memory_space<vmem>>, vector<16xf32>,
        %mul3A_269 = arith.mulf %get3A_173, %get3A_268 : vector<16xf32>
        %add3A_270 = arith.addf %add3A_262, %mul3A_269 : vector<16xf32>
        %get3A_271 = arith.constant 22 : i32
        %get3A_272 = arith.constant 1 : i32
        %get3A_273 = arith.index_cast %get3A_271 : i32 to index
        %get3A_274 = arith.index_cast %get3A_272 : i32 to index
        %get3A_275 = arith.index_cast %mul3A_218 : i32 to index
        %get3A_276 = tpu.vector_load %arg11[%get3A_273, %get3A_274, %get3A_275] {strides = array<i32>} : memref<32x2x768xf32, #tpu.memory_space<vmem>>, vector<16xf32>,
        %mul3A_277 = arith.mulf %get3A_175, %get3A_276 : vector<16xf32>
        %add3A_278 = arith.addf %add3A_270, %mul3A_277 : vector<16xf32>
        %get3A_279 = arith.constant 23 : i32
        %get3A_280 = arith.constant 1 : i32
        %get3A_281 = arith.index_cast %get3A_279 : i32 to index
        %get3A_282 = arith.index_cast %get3A_280 : i32 to index
        %get3A_283 = arith.index_cast %mul3A_218 : i32 to index
        %get3A_284 = tpu.vector_load %arg11[%get3A_281, %get3A_282, %get3A_283] {strides = array<i32>} : memref<32x2x768xf32, #tpu.memory_space<vmem>>, vector<16xf32>,
        %mul3A_285 = arith.mulf %get3A_177, %get3A_284 : vector<16xf32>
        %add3A_286 = arith.addf %add3A_278, %mul3A_285 : vector<16xf32>
        %get3A_287 = arith.constant 24 : i32
        %get3A_288 = arith.constant 1 : i32
        %get3A_289 = arith.index_cast %get3A_287 : i32 to index
        %get3A_290 = arith.index_cast %get3A_288 : i32 to index
        %get3A_291 = arith.index_cast %mul3A_218 : i32 to index
        %get3A_292 = tpu.vector_load %arg11[%get3A_289, %get3A_290, %get3A_291] {strides = array<i32>} : memref<32x2x768xf32, #tpu.memory_space<vmem>>, vector<16xf32>,
        %mul3A_293 = arith.mulf %get3A_179, %get3A_292 : vector<16xf32>
        %add3A_294 = arith.addf %add3A_286, %mul3A_293 : vector<16xf32>
        %get3A_295 = arith.constant 25 : i32
        %get3A_296 = arith.constant 1 : i32
        %get3A_297 = arith.index_cast %get3A_295 : i32 to index
        %get3A_298 = arith.index_cast %get3A_296 : i32 to index
        %get3A_299 = arith.index_cast %mul3A_218 : i32 to index
        %get3A_300 = tpu.vector_load %arg11[%get3A_297, %get3A_298, %get3A_299] {strides = array<i32>} : memref<32x2x768xf32, #tpu.memory_space<vmem>>, vector<16xf32>,
        %mul3A_301 = arith.mulf %get3A_181, %get3A_300 : vector<16xf32>
        %add3A_302 = arith.addf %add3A_294, %mul3A_301 : vector<16xf32>
        %get3A_303 = arith.constant 26 : i32
        %get3A_304 = arith.constant 1 : i32
        %get3A_305 = arith.index_cast %get3A_303 : i32 to index
        %get3A_306 = arith.index_cast %get3A_304 : i32 to index
        %get3A_307 = arith.index_cast %mul3A_218 : i32 to index
        %get3A_308 = tpu.vector_load %arg11[%get3A_305, %get3A_306, %get3A_307] {strides = array<i32>} : memref<32x2x768xf32, #tpu.memory_space<vmem>>, vector<16xf32>,
        %mul3A_309 = arith.mulf %get3A_183, %get3A_308 : vector<16xf32>
        %add3A_310 = arith.addf %add3A_302, %mul3A_309 : vector<16xf32>
        %get3A_311 = arith.constant 27 : i32
        %get3A_312 = arith.constant 1 : i32
        %get3A_313 = arith.index_cast %get3A_311 : i32 to index
        %get3A_314 = arith.index_cast %get3A_312 : i32 to index
        %get3A_315 = arith.index_cast %mul3A_218 : i32 to index
        %get3A_316 = tpu.vector_load %arg11[%get3A_313, %get3A_314, %get3A_315] {strides = array<i32>} : memref<32x2x768xf32, #tpu.memory_space<vmem>>, vector<16xf32>,
        %mul3A_317 = arith.mulf %get3A_185, %get3A_316 : vector<16xf32>
        %add3A_318 = arith.addf %add3A_310, %mul3A_317 : vector<16xf32>
        %get3A_319 = arith.constant 28 : i32
        %get3A_320 = arith.constant 1 : i32
        %get3A_321 = arith.index_cast %get3A_319 : i32 to index
        %get3A_322 = arith.index_cast %get3A_320 : i32 to index
        %get3A_323 = arith.index_cast %mul3A_218 : i32 to index
        %get3A_324 = tpu.vector_load %arg11[%get3A_321, %get3A_322, %get3A_323] {strides = array<i32>} : memref<32x2x768xf32, #tpu.memory_space<vmem>>, vector<16xf32>,
        %mul3A_325 = arith.mulf %get3A_187, %get3A_324 : vector<16xf32>
        %add3A_326 = arith.addf %add3A_318, %mul3A_325 : vector<16xf32>
        %get3A_327 = arith.constant 29 : i32
        %get3A_328 = arith.constant 1 : i32
        %get3A_329 = arith.index_cast %get3A_327 : i32 to index
        %get3A_330 = arith.index_cast %get3A_328 : i32 to index
        %get3A_331 = arith.index_cast %mul3A_218 : i32 to index
        %get3A_332 = tpu.vector_load %arg11[%get3A_329, %get3A_330, %get3A_331] {strides = array<i32>} : memref<32x2x768xf32, #tpu.memory_space<vmem>>, vector<16xf32>,
        %mul3A_333 = arith.mulf %get3A_189, %get3A_332 : vector<16xf32>
        %add3A_334 = arith.addf %add3A_326, %mul3A_333 : vector<16xf32>
        %get3A_335 = arith.constant 30 : i32
        %get3A_336 = arith.constant 1 : i32
        %get3A_337 = arith.index_cast %get3A_335 : i32 to index
        %get3A_338 = arith.index_cast %get3A_336 : i32 to index
        %get3A_339 = arith.index_cast %mul3A_218 : i32 to index
        %get3A_340 = tpu.vector_load %arg11[%get3A_337, %get3A_338, %get3A_339] {strides = array<i32>} : memref<32x2x768xf32, #tpu.memory_space<vmem>>, vector<16xf32>,
        %mul3A_341 = arith.mulf %get3A_191, %get3A_340 : vector<16xf32>
        %add3A_342 = arith.addf %add3A_334, %mul3A_341 : vector<16xf32>
        %get3A_343 = arith.constant 31 : i32
        %get3A_344 = arith.constant 1 : i32
        %get3A_345 = arith.index_cast %get3A_343 : i32 to index
        %get3A_346 = arith.index_cast %get3A_344 : i32 to index
        %get3A_347 = arith.index_cast %mul3A_218 : i32 to index
        %get3A_348 = tpu.vector_load %arg11[%get3A_345, %get3A_346, %get3A_347] {strides = array<i32>} : memref<32x2x768xf32, #tpu.memory_space<vmem>>, vector<16xf32>,
        %mul3A_349 = arith.mulf %get3A_193, %get3A_348 : vector<16xf32>
        %add3A_350 = arith.addf %add3A_342, %mul3A_349 : vector<16xf32>
        %swap3A = arith.constant 1 : i32
        %swap3A_351 = arith.index_cast %swap3A : i32 to index
        %swap3A_352 = arith.index_cast %mul3A_218 : i32 to index
        %swap3A_353 = tpu.vector_load %arg12[%swap3A_351, %swap3A_352] {strides = array<i32>} : memref<2x768xf32, #tpu.memory_space<vmem>>, vector<16xf32>,
        tpu.vector_store %arg12[%swap3A_351, %swap3A_352], %add3A_350 {strides = array<i32>} : memref<2x768xf32, #tpu.memory_space<vmem>>, vector<16xf32>,
        %scan3A_354 = arith.constant 0 : i32
        scf.yield %scan3A_354 : i32
      }
      %scan3A_207 = arith.constant 48 : i32
      "tpu.region"() ({
        %run_scoped3A = tpu.sem_alloc : memref<!tpu.dma_semaphore, #tpu.memory_space<semaphore_mem>>
        %dma_start3A_215 = arith.constant 0 : i32
        %dma_start3A_216 = arith.constant 0 : i32
        %dma_start3A_217 = tpu.memref_slice %arg6[%add3A_18, %dma_start3A_215, %dma_start3A_216] : memref<64x2x768xf32, #tpu.memory_space<hbm>> -> memref<1x2x768xf32, #tpu.memory_space<hbm>>
        %dma_start3A_218 = tpu.memref_squeeze %dma_start3A_217 : memref<1x2x768xf32, #tpu.memory_space<hbm>> -> memref<2x768xf32, #tpu.memory_space<hbm>>
        %dma_start3A_219 = arith.constant 0 : i32
        %dma_start3A_220 = arith.constant 0 : i32
        %dma_start3A_221 = tpu.memref_slice %arg6[%add3A_18, %dma_start3A_219, %dma_start3A_220] : memref<64x2x768xf32, #tpu.memory_space<hbm>> -> memref<1x2x768xf32, #tpu.memory_space<hbm>>
        %dma_start3A_222 = tpu.memref_squeeze %dma_start3A_221 : memref<1x2x768xf32, #tpu.memory_space<hbm>> -> memref<2x768xf32, #tpu.memory_space<hbm>>
        tpu.enqueue_dma source(%arg12 : memref<2x768xf32, #tpu.memory_space<vmem>>) target(%dma_start3A_222 : memref<2x768xf32, #tpu.memory_space<hbm>>) target_semaphore(%run_scoped3A : memref<!tpu.dma_semaphore, #tpu.memory_space<semaphore_mem>>)
        %dma_wait3A_223 = arith.constant 0 : i32
        %dma_wait3A_224 = arith.constant 0 : i32
        %dma_wait3A_225 = tpu.memref_slice %arg6[%add3A_18, %dma_wait3A_223, %dma_wait3A_224] : memref<64x2x768xf32, #tpu.memory_space<hbm>> -> memref<1x2x768xf32, #tpu.memory_space<hbm>>
        %dma_wait3A_226 = tpu.memref_squeeze %dma_wait3A_225 : memref<1x2x768xf32, #tpu.memory_space<hbm>> -> memref<2x768xf32, #tpu.memory_space<hbm>>
        %dma_wait3A_227 = arith.constant 0 : i32
        %dma_wait3A_228 = arith.constant 0 : i32
        %dma_wait3A_229 = tpu.memref_slice %arg6[%add3A_18, %dma_wait3A_227, %dma_wait3A_228] : memref<64x2x768xf32, #tpu.memory_space<hbm>> -> memref<1x2x768xf32, #tpu.memory_space<hbm>>
        %dma_wait3A_230 = tpu.memref_squeeze %dma_wait3A_229 : memref<1x2x768xf32, #tpu.memory_space<hbm>> -> memref<2x768xf32, #tpu.memory_space<hbm>>
        tpu.wait_dma2 semaphore(%run_scoped3A : memref<!tpu.dma_semaphore, #tpu.memory_space<semaphore_mem>>) src(%arg12 : memref<2x768xf32, #tpu.memory_space<vmem>>) dst(%dma_wait3A_230 : memref<2x768xf32, #tpu.memory_space<hbm>>)
        tpu.yield
      }) : () -> ()
      %dma_wait3A = arith.constant 0 : i32
      %dma_wait3A_208 = tpu.memref_slice %arg5[%add3A_18, %dma_wait3A] : memref<64x32768xf32, #tpu.memory_space<hbm>> -> memref<1x32768xf32, #tpu.memory_space<hbm>>
      %dma_wait3A_209 = tpu.memref_squeeze %dma_wait3A_208 : memref<1x32768xf32, #tpu.memory_space<hbm>> -> memref<32768xf32, #tpu.memory_space<hbm>>
      %dma_wait3A_210 = arith.constant 0 : i32
      %dma_wait3A_211 = tpu.memref_slice %arg5[%add3A_18, %dma_wait3A_210] : memref<64x32768xf32, #tpu.memory_space<hbm>> -> memref<1x32768xf32, #tpu.memory_space<hbm>>
      %dma_wait3A_212 = tpu.memref_squeeze %dma_wait3A_211 : memref<1x32768xf32, #tpu.memory_space<hbm>> -> memref<32768xf32, #tpu.memory_space<hbm>>
      tpu.wait_dma2 semaphore(%arg18 : memref<!tpu.dma_semaphore, #tpu.memory_space<semaphore_mem>>) src(%arg8 : memref<32768xf32, #tpu.memory_space<vmem>>) dst(%dma_wait3A_212 : memref<32768xf32, #tpu.memory_space<hbm>>)
      %broadcast_in_dim3A = arith.constant 0.000000e+00 : f32
      %broadcast_in_dim3A_213 = vector.broadcast %broadcast_in_dim3A : f32 to vector<16xf32>
      tpu.vector_store_idx %arg8[%get3A_40], %broadcast_in_dim3A_213 : memref<32768xf32, #tpu.memory_space<vmem>>[vector<16xi32>], vector<16xf32>,
      tpu.vector_store_idx %arg8[%get3A_42], %broadcast_in_dim3A_213 : memref<32768xf32, #tpu.memory_space<vmem>>[vector<16xi32>], vector<16xf32>,
      %scan3A_214 = arith.constant 0 : i32
      scf.yield %scan3A_214 : i32
    }
    %scan3A_13 = arith.constant 2 : i32
    return
  }
}

module attributes {stable_mosaic.version = 14 : i64} {
  func.func @_enc_body(%arg0: i32, %arg1: memref<64x2x768xf32, #tpu.memory_space<vmem>>, %arg2: memref<2x768x2048xf32, #tpu.memory_space<vmem>>, %arg3: memref<1x2048xf32, #tpu.memory_space<vmem>>, %arg4: memref<64x2048xf32, #tpu.memory_space<vmem>>) attributes {dimension_semantics = [#tpu.dimension_semantics<arbitrary>], iteration_bounds = array<i64: 16>, scalar_prefetch = 0 : i64, scratch_operands = 0 : i64, tpu.core_type = #tpu.core_type<tc>, window_params = [{pipeline_mode = #tpu.pipeline_mode<synchronous>, transform_indices = @transform_0, window_bounds = array<i64: 64, 2, 768>}, {transform_indices = @transform_1, window_bounds = array<i64: 2, 768, 2048>}, {transform_indices = @transform_2, window_bounds = array<i64: 1, 2048>}, {transform_indices = @transform_3, window_bounds = array<i64: 64, 2048>}]} {
    %get3A = arith.constant 0 : index
    %get3A_0 = arith.constant 0 : index
    %get3A_1 = arith.constant 0 : index
    %get3A_2 = vector.load %arg1[%get3A, %get3A_0, %get3A_1] : memref<64x2x768xf32, #tpu.memory_space<vmem>>, vector<64x1x768xf32>
    %get3A_3 = vector.shape_cast %get3A_2 : vector<64x1x768xf32> to vector<64x768xf32>
    %get3A_4 = arith.constant 0 : index
    %get3A_5 = arith.constant 0 : index
    %get3A_6 = arith.constant 0 : index
    %get3A_7 = vector.load %arg2[%get3A_4, %get3A_5, %get3A_6] : memref<2x768x2048xf32, #tpu.memory_space<vmem>>, vector<1x768x2048xf32>
    %get3A_8 = vector.shape_cast %get3A_7 : vector<1x768x2048xf32> to vector<768x2048xf32>
    %dot_general3A = arith.constant dense<0.000000e+00> : vector<64x2048xf32>
    %dot_general3A_9 = tpu.matmul %get3A_3, %get3A_8, %dot_general3A {dimension_numbers = #tpu.dot_dimension_numbers<[1], [0], [0], [1], [0, 0, 1, 1], [], []>, transpose_lhs_hint = false} : vector<64x768xf32>, vector<768x2048xf32>, vector<64x2048xf32> -> vector<64x2048xf32>
    %get3A_10 = arith.constant 0 : index
    %get3A_11 = arith.constant 1 : index
    %get3A_12 = arith.constant 0 : index
    %get3A_13 = vector.load %arg1[%get3A_10, %get3A_11, %get3A_12] : memref<64x2x768xf32, #tpu.memory_space<vmem>>, vector<64x1x768xf32>
    %get3A_14 = vector.shape_cast %get3A_13 : vector<64x1x768xf32> to vector<64x768xf32>
    %get3A_15 = arith.constant 1 : index
    %get3A_16 = arith.constant 0 : index
    %get3A_17 = arith.constant 0 : index
    %get3A_18 = vector.load %arg2[%get3A_15, %get3A_16, %get3A_17] : memref<2x768x2048xf32, #tpu.memory_space<vmem>>, vector<1x768x2048xf32>
    %get3A_19 = vector.shape_cast %get3A_18 : vector<1x768x2048xf32> to vector<768x2048xf32>
    %dot_general3A_20 = arith.constant dense<0.000000e+00> : vector<64x2048xf32>
    %dot_general3A_21 = tpu.matmul %get3A_14, %get3A_19, %dot_general3A_20 {dimension_numbers = #tpu.dot_dimension_numbers<[1], [0], [0], [1], [0, 0, 1, 1], [], []>, transpose_lhs_hint = false} : vector<64x768xf32>, vector<768x2048xf32>, vector<64x2048xf32> -> vector<64x2048xf32>
    %add3A = arith.addf %dot_general3A_9, %dot_general3A_21 : vector<64x2048xf32>
    %get3A_22 = arith.constant 0 : index
    %get3A_23 = arith.constant 0 : index
    %get3A_24 = vector.load %arg3[%get3A_22, %get3A_23] : memref<1x2048xf32, #tpu.memory_space<vmem>>, vector<1x2048xf32>
    %add3A_25 = vector.broadcast %get3A_24 : vector<1x2048xf32> to vector<64x2048xf32>
    %add3A_26 = arith.addf %add3A, %add3A_25 : vector<64x2048xf32>
    %max3A = arith.constant 0.000000e+00 : f32
    %max3A_27 = vector.broadcast %max3A : f32 to vector<64x2048xf32>
    %max3A_28 = arith.maximumf %add3A_26, %max3A_27 : vector<64x2048xf32>
    %swap3A = arith.constant 0 : index
    %swap3A_29 = arith.constant 0 : index
    %swap3A_30 = vector.load %arg4[%swap3A, %swap3A_29] : memref<64x2048xf32, #tpu.memory_space<vmem>>, vector<64x2048xf32>
    tpu.vector_store %arg4[%swap3A, %swap3A_29], %max3A_28 {strides = array<i32>} : memref<64x2048xf32, #tpu.memory_space<vmem>>, vector<64x2048xf32>,
    return
  }
  func.func @transform_0(%arg0: i32) -> (i32, i32, i32) {
    %c0_i32 = arith.constant 0 : i32
    %c0_i32_0 = arith.constant 0 : i32
    %c0_i32_1 = arith.constant 0 : i32
    %c0_i32_2 = arith.constant 0 : i32
    return %c0_i32, %c0_i32_0, %c0_i32_1 : i32, i32, i32
  }
  func.func @transform_1(%arg0: i32) -> (i32, i32, i32) {
    %c0_i32 = arith.constant 0 : i32
    %c0_i32_0 = arith.constant 0 : i32
    %c0_i32_1 = arith.constant 0 : i32
    return %c0_i32, %c0_i32_0, %arg0 : i32, i32, i32
  }
  func.func @transform_2(%arg0: i32) -> (i32, i32) {
    %c0_i32 = arith.constant 0 : i32
    %c0_i32_0 = arith.constant 0 : i32
    return %c0_i32, %arg0 : i32, i32
  }
  func.func @transform_3(%arg0: i32) -> (i32, i32) {
    %c0_i32 = arith.constant 0 : i32
    %c0_i32_0 = arith.constant 0 : i32
    return %c0_i32, %arg0 : i32, i32
  }
}

</mosaic_0001>

<sc_bundles>
// kernel: kernel.4.cloned.1.call-start
scs
__scs_entry_jumppad:
0x0: {  	(pc) =	sbr.rel $0x88, $3  }
0x1: {  	(tag) =	ssettag $0x0;
	lr =	simm.s32 $0x1  }
0x2: {  	[smem:$0x3F9C] =	sst lr;
	_ =	strace $0xD0000000  }
0x3: {  	_ = 	snop  }
0x4: {  	_ = 	snop  }
0x5: {  	_ = 	snop  }
0x6: {  	_ = 	snop  }
0x7: {  	_ = 	snop  }
__scs_overlays_trampoline_lowered:
0x8: {  	[smem:$0x3FAB] =	sst s0  }
0x9: {  	[smem:$0x3FAC] =	sst s1  }
0xa: {  	[smem:$0x3FAD] =	sst s2  }
0xb: {  	[smem:$0x3FAE] =	sst s3  }
0xc: {  	[smem:$0x3FAF] =	sst s4  }
0xd: {  	[smem:$0x3FB0] =	sst s5  }
0xe: {  	[smem:$0x3FB1] =	sst s6  }
0xf: {  	[smem:$0x3FB2] =	sst s7  }
0x10: {  	[smem:$0x3FB3] =	sst s8  }
0x11: {  	[smem:$0x3FB4] =	sst s9;
	s0 =	simm.s32 @!p0 $0x0  }
0x12: {  	s1 =	sld [smem:$0x3F9A];
	s0 =	simm.s32 @p0 $0x1  }
0x13: {  	[smem:$0x3FB5] =	sst s0;
	s0 =	simm.s32 @!p1 $0x0  }
0x14: {  	s2 =	sld [smem:$0x3F99];
	s0 =	simm.s32 @p1 $0x1  }
0x15: {  	[smem:$0x3FB6] =	sst s0;
	s0 =	simm.s32 @!p2 $0x0  }
0x16: {  	s3 =	sld [smem:$0x3FDB];
	s0 =	simm.s32 @p2 $0x1  }
0x17: {  	s4 =	simm.s32 $0x1BF5;
	[smem:$0x3FB8] =	sst s0  }
0x18: {  	s0 =	sld [smem:$0x3F9B];
	_ =	swait.ge [sflag:s4], $0x0  }
0x19: {  	s7 =	sld [smem:$0x3F9C]  }
0x1a: {  	s8 =	sadd.s32 $0xFFFFE003, lr  }
0x1b: {  	s9 =	sadd.s32 $0xFFFFFEF7, lr;
	s5 =	simm.s32 $0xFFFFFFFF;
	p2 =	slt.u32 s8, $0xFFFFF086  }
0x1c: {  	p1 =	slt.u32 s9, $0xF7A;
	s5 =	simm.s32 @!p2 $0x0  }
0x1d: {  	s5 =	simm.s32 @p1 $0x1;
	p0 =	seq.s32 s7, s2  }
0x1e: {  	s7 =	smul.u32 @!p0 $0xF7A, s2;
	p2 =	seq.s32 @!p0 s5, $0x0  }
0x1f: {  	s9 =	smul.u32 $0xF7A, s1;
	s8 =	simm.s32 @!p0 $0x1BF5;
	p2 =	por !p2, p0  }
0x20: {  	[sflag:s8] =	ssyncset.s32 @!p0 $0xFFFFF086;
	s6 =	sadd.s32 @!p0 s3, s7;
	s7 =	simm.s32 @!p0 $0x108  }
0x21: {  	s3 =	sadd.s32 s3, s9;
	s6 =	sadd.s32 @!p0 $0x88, s6;
	s7 =	simm.s32 @p2 $0x1082  }
0x22: {  	[simem:s7], [sflag:s8] =	dma.local @!p0 [hbm:s6], $0xF7A  }
0x23: {  	s9 =	sor.u32 $0xD0000000, s2;
	s6 =	simm.s32 $0x108;
	_ =	swait.ge @!p0 [sflag:s8], $0x0  }
0x24: {  	s3 =	sadd.s32 $0x88, s3;
	s6 =	simm.s32 @!p1 $0x1082;
	[sflag:s4] =	ssyncset.s32 $0xFFFFF086  }
0x25: {  	[simem:s6], [sflag:s4] =	dma.local [hbm:s3], $0xF7A  }
0x26: {  	[smem:$0x3F9C] =	sst s1;
	(tag) =	ssettag s2;
	_ =	strace s9  }
0x27: {  	s1 =	sld [smem:$0x3FAC]  }
0x28: {  	s2 =	sld [smem:$0x3FAD]  }
0x29: {  	s4 =	sld [smem:$0x3FAF]  }
0x2a: {  	p0 =	seq.s32 s5, $0x0;
	s5 =	sld [smem:$0x3FB0]  }
0x2b: {  	s6 =	sld [smem:$0x3FB1]  }
0x2c: {  	s7 =	sld [smem:$0x3FB2]  }
0x2d: {  	s3 =	simm.s32 $0x108;
	s8 =	sld [smem:$0x3FB3]  }
0x2e: {  	s3 =	simm.s32 @!p0 $0x1082;
	s9 =	sld [smem:$0x3FB4]  }
0x2f: {  	lr =	sadd.s32 s0, s3;
	s0 =	sld [smem:$0x3FAB]  }
0x30: {  	s3 =	sld [smem:$0x3FAE]  }
0x31: {  	[smem:$0x3FB7] =	sst s10  }
0x32: {  	s10 =	sld [smem:$0x3FB5];
	_ =	sdelay $0x3  }
0x33: {  	p0 =	seq.s32 s10, $0x1;
	s10 =	sld [smem:$0x3FB7];
	_ =	sdelay $0x3  }
0x34: {  	[smem:$0x3FB7] =	sst s10  }
0x35: {  	s10 =	sld [smem:$0x3FB6];
	_ =	sdelay $0x3  }
0x36: {  	p1 =	seq.s32 s10, $0x1;
	s10 =	sld [smem:$0x3FB7];
	_ =	sdelay $0x3  }
0x37: {  	[smem:$0x3FB7] =	sst s10  }
0x38: {  	s10 =	sld [smem:$0x3FB8]  }
0x39: {  	_ = 	snop;
	(pc) =	sbr.ind lr, $3  }
0x3a: {  	_ = 	snop  }
0x3b: {  	_ = 	snop  }
0x3c: {  	p2 =	seq.s32 s10, $0x1;
	s10 =	sld [smem:$0x3FB7]  }
0x3d: {  	_ =	shalt  }
0x3e: {  	_ =	shalt  }
0x3f: {  	_ =	shalt  }
0x40: {  	_ =	shalt  }
0x41: {  	_ =	shalt  }
0x42: {  	_ =	shalt  }
0x43: {  	_ =	shalt  }
0x44: {  	_ =	shalt  }
0x45: {  	_ =	shalt  }
0x46: {  	_ =	shalt  }
0x47: {  	_ =	shalt  }
0x48: {  	_ =	shalt  }
0x49: {  	_ =	shalt  }
0x4a: {  	_ =	shalt  }
0x4b: {  	_ =	shalt  }
0x4c: {  	_ =	shalt  }
0x4d: {  	_ =	shalt  }
0x4e: {  	_ =	shalt  }
0x4f: {  	_ =	shalt  }
0x50: {  	_ =	shalt  }
0x51: {  	_ =	shalt  }
0x52: {  	_ =	shalt  }
0x53: {  	_ =	shalt  }
0x54: {  	_ =	shalt  }
0x55: {  	_ =	shalt  }
0x56: {  	_ =	shalt  }
0x57: {  	_ =	shalt  }
0x58: {  	_ =	shalt  }
0x59: {  	_ =	shalt  }
0x5a: {  	_ =	shalt  }
0x5b: {  	_ =	shalt  }
0x5c: {  	_ =	shalt  }
0x5d: {  	_ =	shalt  }
0x5e: {  	_ =	shalt  }
0x5f: {  	_ =	shalt  }
0x60: {  	_ =	shalt  }
0x61: {  	_ =	shalt  }
0x62: {  	_ =	shalt  }
0x63: {  	_ =	shalt  }
0x64: {  	_ =	shalt  }
0x65: {  	_ =	shalt  }
0x66: {  	_ =	shalt  }
0x67: {  	_ =	shalt  }
0x68: {  	_ =	shalt  }
0x69: {  	_ =	shalt  }
0x6a: {  	_ =	shalt  }
0x6b: {  	_ =	shalt  }
0x6c: {  	_ =	shalt  }
0x6d: {  	_ =	shalt  }
0x6e: {  	_ =	shalt  }
0x6f: {  	_ =	shalt  }
0x70: {  	_ =	shalt  }
0x71: {  	_ =	shalt  }
0x72: {  	_ =	shalt  }
0x73: {  	_ =	shalt  }
0x74: {  	_ =	shalt  }
0x75: {  	_ =	shalt  }
0x76: {  	_ =	shalt  }
0x77: {  	_ =	shalt  }
0x78: {  	_ =	shalt  }
0x79: {  	_ =	shalt  }
0x7a: {  	_ =	shalt  }
0x7b: {  	_ =	shalt  }
0x7c: {  	_ =	shalt  }
0x7d: {  	_ =	shalt  }
0x7e: {  	_ =	shalt  }
0x7f: {  	_ =	shalt  }
0x80: {  	_ =	shalt  }
0x81: {  	_ =	shalt  }
0x82: {  	_ =	shalt  }
0x83: {  	_ =	shalt  }
0x84: {  	_ =	shalt  }
0x85: {  	_ =	shalt  }
0x86: {  	_ =	shalt  }
0x87: {  	_ =	shalt  }
.Lfunc_end0:
.L_simem_size_0:
called_computation_lowered:
.L_overlay_start_0:
0x88: {  	s2 =	sld [smem:$0x3FD9]  }
0x89: {  	s3 =	sld [smem:$0x3FFE];
	_ =	sdelay $0x1  }
0x8a: {  	s1 =	srdreg.scid  }
0x8b: {  	s0 =	sand.u32 $0x1, s1  }
0x8c: {  	s14 =	sshll.u32 s0, $0xA;
	s2 =	sadd.s32 s3, s2  }
0x8d: {  	s2 =	sadd.s32 s2, s14  }
0x8e: {  	[smem:$0x3FC3] =	sst s2  }
0x8f: {  	_ = 	snop  }
0x90: {  	s2 =	sld [smem:$0x3FD0];
	_ =	sdelay $0x1  }
0x91: {  	s15 =	sld [smem:$0x3FC6]  }
0x92: {  	s5 =	simm.s32 $0xA;
	s6 =	simm.s32 $0x10;
	s4 =	sld [smem:$0x3FC5]  }
0x93: {  	[smem:s6], [sflag:s5] =	dma.local [hbm:s2], $0x1  }
0x94: {  	_ =	swait.eq [sflag:s5], $0x1  }
0x95: {  	[sflag:s5] =	ssyncset.done $0x0  }
0x96: {  	s16 =	sld [smem:$0x10];
	[sflag:s5] =	ssyncadd.s32 $0xFFFFFFFF  }
0x97: {  	s17 =	sld [smem:$0x11];
	(tm) =	ssettm $0x1  }
0x98: {  	s18 =	sld [smem:$0x3FFB];
	_ =	sdelay $0x3  }
0x99: {  	_ =	strace s18  }
0x9a: {  	s6 =	sld [smem:$0x3FFC];
	_ =	sdelay $0x3  }
0x9b: {  	_ =	strace s6  }
0x9c: {  	s6 =	sld [smem:$0x3FFD];
	_ =	sdelay $0x3  }
0x9d: {  	_ =	strace s6  }
0x9e: {  	_ =	strace $0x8FFFFFFF  }
0x9f: {  	s19 =	sld [smem:$0x3FDB];
	_ =	sdelay $0x1  }
0xa0: {  	s7 =	simm.s32 $_scs_section_size  }
0xa1: {  	s8 =	simm.s32 $_size__tile_overlayer_lowered;
	s9 =	simm.s32 $_tile_overlayer_lowered  }
0xa2: {  	s22 =	simm.s32 $0x1BFF;
	s21 =	sshll.u32 s9, $0x1;
	s6 =	sadd.s32 s7, s19  }
0xa3: {  	s10 =	simm.s32 $0x0;
	s20 =	sshll.u32 s8, $0x1;
	s8 =	sadd.s32 s21, s6  }
0xa4: {  	[timem:s10], [sflag:s22] =	dma.local [hbm:s8], s20  }
0xa5: {  	_ =	swait.ge [sflag:s22], s20  }
0xa6: {  	s7 =	ssub.s32 $0x0, s20;
	[sflag:s22] =	ssyncset.done $0x0  }
0xa7: {  	[sflag:s22] =	ssyncadd.s32 s7;
	_ =	sdelay $0x1  }
0xa8: {  	s23 =	simm.s32 $0x1B8B  }
0xa9: {  	_ =	swait.ge [sflag:s23], $0x1  }
0xaa: {  	[sflag:s23] =	ssyncset.done $0x0  }
0xab: {  	s25 =	simm.s32 $0x1B8E;
	s24 =	sld [smem:$0x3FFE];
	[sflag:s23] =	ssyncadd.s32 $0xFFFFFFFF  }
0xac: {  	s26 =	simm.s32 $execute0_lowered;
	[smem:$0x3FD2] =	sst s25  }
0xad: {  	s8 =	sshll.u32 s26, $0x1;
	_ =	strace $0x80000046;
	[dreg:$0x1] =	wrdreg $0xFFFFFFFF  }
0xae: {  	s28 =	simm.s32 $_size_execute0_lowered;
	s6 =	sadd.s32 s6, s8;
	[dreg:$0x0] =	wrdreg $0x0  }
0xaf: {  	s8 =	sshll.u32 s28, $0x1;
	[dreg:$0x2] =	wrdreg s6  }
0xb0: {  	[dreg:$0x3] =	wrdreg s8  }
0xb1: {  	[dreg:$0x4] =	wrdreg $0xC0  }
0xb2: {  	_ =	task [dreg:s10], $0x5FFFF  }
0xb3: {  	[dreg:$0x1] =	wrdreg $0xFFFFFFFF  }
0xb4: {  	[dreg:$0x0] =	wrdreg $0x60  }
0xb5: {  	[dreg:$0x2] =	wrdreg s24  }
0xb6: {  	[dreg:$0x3] =	wrdreg s15  }
0xb7: {  	[dreg:$0x4] =	wrdreg s4  }
0xb8: {  	[dreg:$0x5] =	wrdreg s17  }
0xb9: {  	[dreg:$0x6] =	wrdreg s16  }
0xba: {  	[dreg:$0x7] =	wrdreg $0x9  }
0xbb: {  	_ =	task.clear_ibuf [dreg:s10], $0x8FFFF;
	_ =	strace $0x90000046  }
0xbc: {  	s29 =	simm.s32 $0x9;
	_ =	strace $0x80000048  }
0xbd: {  	_ =	swait.ge [sflag:s29], $0x1  }
0xbe: {  	[sflag:s29] =	ssyncadd.s32 $0xFFFFFFFF  }
0xbf: {  	_ =	strace $0x90000048  }
0xc0: {  	_ =	sfence  }
0xc1: {  	s30 =	sld [smem:$0x0];
	_ =	sdelay $0x2  }
0xc2: {  	s31 =	sshll.u32 s1, $0xD;
	s1 =	sshrl.u32 s1, $0x2  }
0xc3: {  	s3 =	sand.u32 $0x4000, s31;
	s1 =	sadd.s32 s1, s30  }
0xc4: {  	s0 =	sor.u32 s3, s0;
	s1 =	sshll.u32 s1, $0x11  }
0xc5: {  	s0 =	sor.u32 s1, s0  }
0xc6: {  	s0 =	sadd.s32 $0x8F2B, s0  }
0xc7: {  	[sflag:s0] =	ssyncadd.remote.s32 $0x1  }
0xc8: {  	_ =	sfence.sel $0xFFFF  }
0xc9: {  	[dreg:$0x0] =	wrdreg $0xFFFFFFFF;
	(pc) =	sbr.abs _section_cstart, $3  }
0xca: {  	[dreg:$0x1] =	wrdreg $0xFFFFFFFF  }
0xcb: {  	_ =	task.clear_ibuf [dreg:s10], $0x2FFFF;
	_ =	strace $0x9FFFFFFF  }
0xcc: {  	(tm) =	ssettm $0x7FFFFFFF  }
0xcd: {  	_ =	shalt  }
tec
execute0_lowered:
.L_overlay_start_1:
0x0: {  	(tag) =	ssettag $0x1  }
0x1: {  	v0 =	vimm.s32 $0xFEDCBA98;
	v1 =	vimm.s32 $0x76543210  }
0x2: {  	s1 =	rddreg [dreg:$0x0];
	v3 =	vimm.s32 $0x32107654;
	v4 =	vimm.s32 $0xDCFE98BA;
	v5 =	vimm.s32 $0x54761032  }
0x3: {  	s0 =	rddreg [dreg:$0x1];
	s5 =	simm.s32 $0x0;
	s2 =	srdreg.scid;
	v6 =	vimm.s32 $0xEFCDAB89;
	v7 =	vimm.s32 $0x67452301;
	v0 =	vunpack.c.l.s4.s8 v0  }
0x4: {  	s6 =	stileid.u32;
	s12 =	simm.s32 $0x2;
	s13 =	simm.s32 $0x400;
	v3 =	vunpack.c.l.s4.s8 v3;
	v4 =	vunpack.c.l.s4.s8 v4;
	v5 =	vunpack.c.l.s4.s8 v5  }
0x5: {  	s14 =	simm.s32 $0x10000;
	s15 =	simm.s32 $0x1D480;
	s16 =	simm.s32 $0x1D500;
	v6 =	vunpack.c.l.s4.s8 v6;
	v7 =	vunpack.c.l.s4.s8 v7;
	v2 =	vunpack.c.0.s8.s32 v0  }
0x6: {  	s17 =	simm.s32 $0x1D580;
	s18 =	simm.s32 $0x1D780;
	s19 =	simm.s32 $0x10800;
	v0 =	vimm.s32 $0xBA98FEDC;
	v4 =	vunpack.c.0.s8.s32 v4;
	v5 =	vunpack.c.0.s8.s32 v5  }
0x7: {  	s20 =	simm.s32 $0x10880;
	s21 =	simm.s32 $0x16880;
	s22 =	simm.s32 $0x8000;
	v6 =	vunpack.c.0.s8.s32 v6;
	v7 =	vunpack.c.0.s8.s32 v7;
	v0 =	vunpack.c.l.s4.s8 v0  }
0x8: {  	vm0 =	vmmov $0xffff;
	s23 =	simm.s32 $0x80;
	s24 =	simm.s32 $0x1C880;
	v1 =	vunpack.c.l.s4.s8 v1;
	s2 =	sand.u32 $0x1, s2;
	v3 =	vunpack.c.0.s8.s32 v3  }
0x9: {  	s26 =	simm.s32 $0x0;
	[smem:$0x7FF] =	sst s5;
	s3 =	ssub.s32 $0x2, s2;
	v5 =	vcombine.low v5, v4;
	v6 =	vcombine.low v7, v6;
	v8 =	vunpack.c.0.s8.s32 v0  }
0xa: {  	s7 =	sadd.s32 $0xE00, s1;
	s30 =	sshll.u32 s6, $0x2;
	s4 =	sshrl.u32 s3, $0x1;
	v9 =	vunpack.c.0.s8.s32 v1;
	v1 =	vimm.f32 $0.0e+00;
	v0 =	vlaneseq.u32  }
0xb: {  	s31 =	sshll.u32 s6, $0xE;
	_ =	strace $0x80000047;
	s29 =	ssub.s32 s3, s4;
	v5 =	vand.u32 $0xF, v5;
	v6 =	vand.u32 $0xF, v6;
	v8 =	vcombine.low v3, v8  }
0xc: {  	s2 =	sshll.u32 s2, $0x1;
	s9 =	sand.u32 $0x38000, s31;
	s1 =	smax.u32 s29, $0x1;
	v7 =	vmul.u32 $0x10, v0;
	v3 =	vand.u32 $0xF, v2;
	v2 =	vmul.u32 $0x80, v0  }
0xd: {  	s8 =	sor.u32 s2, s30;
	s2 =	simm.s32 $0x0;
	[dreg:$0x6] =	wrdreg s1;
	v3 =	vcombine.low v3, v9;
	v4 =	vand.u32 $0xF, v8;
	v8 =	vimm.f32 $-1.000000000e+00  }
.LBB2_1:
0xe: {  	[dreg:$0x7] =	wrdreg s2  }
0xf: {  	s1 =	rddreg [dreg:$0x2];
	s31 =	simm.s32 $0x1CE80  }
0x10: {  	[tilespmem:s31], [sflag:$0x2] =	stream.linear.gather [hbm4b:s1+s5], $0x600, $0x38;
	[tilespmem:$0x1D980] =	vst v63  }
0x11: {  	_ =	swait.ge [sflag:s12], $0x600  }
0x12: {  	[sflag:s12] =	ssyncset.done $0x0  }
0x13: {  	s4 =	simm.s32 $0x200;
	s1 =	simm.s32 $0x0;
	[sflag:s12] =	ssyncadd.s32 $0xFFFFFA00  }
.LBB2_2:
0x14: {  	p0 =	sne.s32 s4, $0x1FE00;
	[tilespmem:s1+$0x8070] =	vst v1  }
0x15: {  	[tilespmem:s1+$0x8000] =	vst v1  }
0x16: {  	[tilespmem:s1+$0x8010] =	vst v1  }
.Ltmp0:
0x17: {  	[tilespmem:s1+$0x8020] =	vst v1;
	(pc) =	sbr.rel @p0 .LBB2_2-.Ltmp0, $4  }
0x18: {  	[tilespmem:s1+$0x8030] =	vst v1  }
0x19: {  	[tilespmem:s1+$0x8040] =	vst v1  }
0x1a: {  	[tilespmem:s1+$0x8050] =	vst v1  }
0x1b: {  	[tilespmem:s1+$0x8060] =	vst v1;
	s1 =	sshra.s32 s4, $0x2;
	s4 =	sadd.s32 $0x200, s4  }
0x1c: {  	[tilespmem:s1+$0x8070] =	vst v1  }
0x1d: {  	[tilespmem:s1+$0x8000] =	vst v1  }
0x1e: {  	[tilespmem:s1+$0x8010] =	vst v1  }
0x1f: {  	[tilespmem:s1+$0x8020] =	vst v1  }
0x20: {  	[tilespmem:s1+$0x8030] =	vst v1  }
0x21: {  	[tilespmem:s1+$0x8040] =	vst v1  }
0x22: {  	[tilespmem:s1+$0x8050] =	vst v1  }
0x23: {  	[tilespmem:s1+$0x8060] =	vst v1;
	p1 =	por $0x1, $0x1;
	s1 =	simm.s32 $0x0  }
.LBB2_4:
0x24: {  	s28 =	sor.u32 s8, s1  }
0x25: {  	s1 =	sshll.u32 s28, $0x4  }
0x26: {  	s1 =	sand.u32 $0x70, s1  }
0x27: {  	s29 =	sor.u32 s9, s1  }
0x28: {  	s1 =	simm.s32 $0x80;
	s2 =	sadd.s32 s7, s29  }
0x29: {  	[tilespmem:s26], [sflag:$0x2] =	stream.strided.gather [hbm4b:s2+s1], $0x8000, s13, s1, $0x38;
	[tilespmem:$0x1D980] =	vst v63  }
0x2a: {  	_ =	swait.ge [sflag:s12], $0x8000  }
0x2b: {  	[sflag:s12] =	ssyncset.done $0x0  }
0x2c: {  	[sflag:s12] =	ssyncadd.s32 $0xFFFF8000  }
0x2d: {  	v9 =	vld [tilespmem:s1+$0xFFFFFF90]  }
0x2e: {  	p0 =	por p1, p1;
	s6 =	simm.s32 $0x1;
	s4 =	simm.s32 $0x0;
	v10 =	vld [tilespmem:s1+$0xFFFFFF80]  }
.LBB2_5:
0x2f: {  	p1 =	sne.s32 s6, $0x7F;
	v11 =	vld [tilespmem:s1+$0xFFFFFFA0]  }
0x30: {  	v12 =	vld [tilespmem:s1+$0xFFFFFFB0]  }
0x31: {  	v13 =	vld [tilespmem:s1+$0xFFFFFFC0]  }
0x32: {  	v14 =	vld [tilespmem:s1+$0xFFFFFFD0]  }
0x33: {  	v9 =	vmax.f32 v10, v9;
	v10 =	vld [tilespmem:s1+$0xFFFFFFE0]  }
0x34: {  	v9 =	vmax.f32 v9, v11;
	v11 =	vld [tilespmem:s1+$0xFFFFFFF0]  }
0x35: {  	v9 =	vmax.f32 v9, v12;
	v12 =	vld [tilespmem:s1+$0x0]  }
0x36: {  	v9 =	vmax.f32 v9, v13;
	v13 =	vld [tilespmem:s1+$0x10]  }
0x37: {  	v9 =	vmax.f32 v9, v14;
	v14 =	vld [tilespmem:s1+$0x20]  }
0x38: {  	v9 =	vmax.f32 v9, v10;
	v10 =	vld [tilespmem:s1+$0x30]  }
0x39: {  	v9 =	vmax.f32 v9, v11;
	v11 =	vld [tilespmem:s1+$0x40]  }
0x3a: {  	v9 =	vmax.f32 v9, v12;
	v12 =	vld [tilespmem:s1+$0x50]  }
0x3b: {  	v9 =	vmax.f32 v9, v13;
	v13 =	vld [tilespmem:s1+$0x60]  }
0x3c: {  	v9 =	vmax.f32 v9, v14;
	v14 =	vld [tilespmem:s1+$0x70]  }
0x3d: {  	v9 =	vmax.f32 v9, v10;
	v10 =	vor.u32 s4, v2;
	s4 =	smov.u32 s6  }
0x3e: {  	v9 =	vmax.f32 v9, v11  }
0x3f: {  	v9 =	vmax.f32 v9, v12  }
.Ltmp1:
0x40: {  	v9 =	vmax.f32 v9, v13;
	(pc) =	sbr.rel @p1 .LBB2_5-.Ltmp1, $4  }
0x41: {  	v9 =	vmax.f32 v9, v14  }
0x42: {  	s1 =	sadd.s32 $0x100, s1;
	[tilespmem:v10+s14+$0x0] =	vst.idx.msk $0xffff, v9  }
0x43: {  	v9 =	vld [tilespmem:s1+$0xFFFFFF90]  }
0x44: {  	s6 =	sadd.s32 $0x1, s6;
	v10 =	vld [tilespmem:s1+$0xFFFFFF80]  }
0x45: {  	v11 =	vld [tilespmem:s1+$0xFFFFFFA0]  }
0x46: {  	v12 =	vld [tilespmem:s1+$0xFFFFFFB0]  }
0x47: {  	v13 =	vld [tilespmem:s1+$0xFFFFFFC0]  }
0x48: {  	v14 =	vld [tilespmem:s1+$0xFFFFFFD0]  }
0x49: {  	v9 =	vmax.f32 v10, v9;
	v10 =	vld [tilespmem:s1+$0xFFFFFFE0]  }
0x4a: {  	v9 =	vmax.f32 v9, v11;
	v11 =	vld [tilespmem:s1+$0xFFFFFFF0]  }
0x4b: {  	v9 =	vmax.f32 v9, v12;
	v12 =	vld [tilespmem:s1+$0x0]  }
0x4c: {  	v9 =	vmax.f32 v9, v13;
	v13 =	vld [tilespmem:s1+$0x10]  }
0x4d: {  	v9 =	vmax.f32 v9, v14;
	v14 =	vld [tilespmem:s1+$0x20]  }
0x4e: {  	v9 =	vmax.f32 v9, v10;
	v10 =	vld [tilespmem:s1+$0x30]  }
0x4f: {  	v9 =	vmax.f32 v9, v11;
	v11 =	vld [tilespmem:s1+$0x40]  }
0x50: {  	v9 =	vmax.f32 v9, v12;
	v12 =	vld [tilespmem:s1+$0x50]  }
0x51: {  	v9 =	vmax.f32 v9, v13;
	v13 =	vld [tilespmem:s1+$0x60]  }
0x52: {  	v9 =	vmax.f32 v9, v14;
	v14 =	vld [tilespmem:s1+$0x70]  }
0x53: {  	v9 =	vmax.f32 v9, v10;
	v10 =	vor.u32 s4, v2  }
0x54: {  	v9 =	vmax.f32 v9, v11  }
0x55: {  	v9 =	vmax.f32 v9, v12  }
0x56: {  	v9 =	vmax.f32 v9, v13  }
0x57: {  	v9 =	vmax.f32 v9, v14  }
0x58: {  	s1 =	simm.s32 $0x0;
	[tilespmem:v10+s14+$0x0] =	vst.idx.msk $0xffff, v9  }
0x59: {  	v9 =	vld [tilespmem:s1+$0x10000]  }
0x5a: {  	v10 =	vld [tilespmem:s1+$0x10080]  }
0x5b: {  	v11 =	vld [tilespmem:s1+$0x10100]  }
0x5c: {  	v12 =	vld [tilespmem:s1+$0x10180]  }
0x5d: {  	v13 =	vld [tilespmem:s1+$0x10200]  }
0x5e: {  	v14 =	vld [tilespmem:s1+$0x10280]  }
0x5f: {  	v9 =	vmax.f32 v9, v10;
	v10 =	vld [tilespmem:s1+$0x10300]  }
0x60: {  	v9 =	vmax.f32 v9, v11;
	v11 =	vld [tilespmem:s1+$0x10380]  }
0x61: {  	v9 =	vmax.f32 v9, v12;
	v12 =	vld [tilespmem:s1+$0x10400]  }
0x62: {  	v9 =	vmax.f32 v9, v13;
	v13 =	vld [tilespmem:s1+$0x10480]  }
0x63: {  	v9 =	vmax.f32 v9, v14;
	v14 =	vld [tilespmem:s1+$0x10500]  }
0x64: {  	v15 =	vld [tilespmem:s1+$0x10580];
	v9 =	vmax.f32 v9, v10  }
0x65: {  	v10 =	vld [tilespmem:s1+$0x10600];
	v9 =	vmax.f32 v9, v11  }
0x66: {  	v11 =	vld [tilespmem:s1+$0x10680];
	v9 =	vmax.f32 v9, v12  }
0x67: {  	v12 =	vld [tilespmem:s1+$0x10700];
	v9 =	vmax.f32 v9, v13  }
0x68: {  	s6 =	simm.s32 $0x10;
	v13 =	vld [tilespmem:s1+$0x10780];
	v14 =	vmax.f32 v9, v14  }
0x69: {  	s10 =	simm.s32 $0x80;
	s4 =	simm.s32 $0x0;
	v9 =	vld [tilespmem:s6+$0x10000];
	v14 =	vmax.f32 v14, v15  }
.LBB2_7:
0x6a: {  	p1 =	sne.s32 s10, $0x1C0;
	v15 =	vld [tilespmem:s6+$0x10080];
	v10 =	vmax.f32 v14, v10  }
0x6b: {  	v14 =	vld [tilespmem:s6+$0x10100];
	v10 =	vmax.f32 v10, v11  }
0x6c: {  	v11 =	vld [tilespmem:s6+$0x10180];
	v10 =	vmax.f32 v10, v12  }
0x6d: {  	v12 =	vld [tilespmem:s6+$0x10200];
	v10 =	vmax.f32 v10, v13  }
0x6e: {  	v13 =	vld [tilespmem:s6+$0x10280];
	[tilespmem:s1+$0x10800] =	vst v10;
	s1 =	smov.u32 s6  }
0x6f: {  	v9 =	vmax.f32 v9, v15;
	v10 =	vld [tilespmem:s1+$0x10300]  }
0x70: {  	v9 =	vmax.f32 v9, v14;
	v14 =	vld [tilespmem:s1+$0x10380]  }
0x71: {  	v9 =	vmax.f32 v9, v11;
	v11 =	vld [tilespmem:s1+$0x10400]  }
0x72: {  	v9 =	vmax.f32 v9, v12;
	v12 =	vld [tilespmem:s1+$0x10480]  }
0x73: {  	v9 =	vmax.f32 v9, v13;
	v13 =	vld [tilespmem:s1+$0x10500]  }
0x74: {  	v9 =	vmax.f32 v9, v10;
	v15 =	vld [tilespmem:s1+$0x10580]  }
.Ltmp2:
0x75: {  	v9 =	vmax.f32 v9, v14;
	v10 =	vld [tilespmem:s1+$0x10600];
	(pc) =	sbr.rel @p1 .LBB2_7-.Ltmp2, $4  }
0x76: {  	v9 =	vmax.f32 v9, v11;
	v11 =	vld [tilespmem:s1+$0x10680]  }
0x77: {  	v9 =	vmax.f32 v9, v12;
	v12 =	vld [tilespmem:s1+$0x10700]  }
0x78: {  	s6 =	sshra.s32 s10, $0x2;
	v14 =	vmax.f32 v9, v13;
	v13 =	vld [tilespmem:s1+$0x10780]  }
0x79: {  	s10 =	sadd.s32 $0x40, s10;
	v9 =	vld [tilespmem:s6+$0x10000];
	v14 =	vmax.f32 v14, v15  }
0x7a: {  	v15 =	vld [tilespmem:s6+$0x10080];
	v10 =	vmax.f32 v14, v10  }
0x7b: {  	v55 =	vld [tilespmem:s6+$0x10100];
	v10 =	vmax.f32 v10, v11  }
0x7c: {  	v11 =	vld [tilespmem:s6+$0x10180];
	v10 =	vmax.f32 v10, v12  }
0x7d: {  	v56 =	vld [tilespmem:s6+$0x10200];
	v10 =	vmax.f32 v10, v13  }
0x7e: {  	v57 =	vld [tilespmem:s6+$0x10280];
	[tilespmem:s1+$0x10800] =	vst v10  }
0x7f: {  	v9 =	vmax.f32 v9, v15;
	v10 =	vld [tilespmem:s6+$0x10300]  }
0x80: {  	v58 =	vld [tilespmem:s6+$0x10380];
	v9 =	vmax.f32 v9, v55  }
0x81: {  	v9 =	vmax.f32 v9, v11;
	v11 =	vld [tilespmem:s6+$0x10400]  }
0x82: {  	v59 =	vld [tilespmem:s6+$0x10480];
	v9 =	vmax.f32 v9, v56  }
0x83: {  	v60 =	vld [tilespmem:s6+$0x10500];
	v9 =	vmax.f32 v9, v57  }
0x84: {  	v9 =	vmax.f32 v9, v10;
	v10 =	vld [tilespmem:s6+$0x10580]  }
0x85: {  	v61 =	vld [tilespmem:s6+$0x10600];
	v9 =	vmax.f32 v9, v58  }
0x86: {  	v9 =	vmax.f32 v9, v11;
	v11 =	vld [tilespmem:s6+$0x10680]  }
0x87: {  	v62 =	vld [tilespmem:s6+$0x10700];
	v9 =	vmax.f32 v9, v59  }
0x88: {  	v63 =	vld [tilespmem:s6+$0x10780];
	v9 =	vmax.f32 v9, v60  }
0x89: {  	v9 =	vmax.f32 v9, v10  }
0x8a: {  	v9 =	vmax.f32 v9, v61  }
0x8b: {  	v9 =	vmax.f32 v9, v11  }
0x8c: {  	v9 =	vmax.f32 v9, v62  }
0x8d: {  	v9 =	vmax.f32 v9, v63  }
0x8e: {  	s1 =	simm.s32 $0x0;
	[tilespmem:s6+$0x10800] =	vst v9  }
.LBB2_9:
0x8f: {  	v9 =	vld [tilespmem:$0x10800]  }
0x90: {  	v10 =	vld [tilespmem:$0x10810]  }
0x91: {  	v11 =	vld [tilespmem:$0x10820]  }
0x92: {  	v12 =	vld [tilespmem:$0x10830]  }
0x93: {  	v13 =	vld [tilespmem:$0x10840]  }
0x94: {  	v14 =	vld [tilespmem:$0x10850]  }
0x95: {  	v15 =	vld [tilespmem:$0x10860];
	v16 =	vmax.f32 v9, v10  }
0x96: {  	v17 =	vld [tilespmem:$0x10870];
	v16 =	vmax.f32 v16, v11  }
0x97: {  	v16 =	vmax.f32 v16, v12  }
0x98: {  	v16 =	vmax.f32 v16, v13  }
0x99: {  	v16 =	vmax.f32 v16, v14  }
0x9a: {  	v16 =	vmax.f32 v16, v15  }
0x9b: {  	v16 =	vmax.f32 v16, v17  }
0x9c: {  	v18 =	vperm.xlane v16, v3;
	_ =	sdelay $0x1  }
0x9d: {  	v16 =	vmax.f32 v16, v18  }
0x9e: {  	v18 =	vperm.xlane v16, v4;
	_ =	sdelay $0x1  }
0x9f: {  	v16 =	vmax.f32 v16, v18  }
0xa0: {  	v18 =	vperm.xlane v16, v5;
	_ =	sdelay $0x1  }
0xa1: {  	v16 =	vmax.f32 v16, v18  }
0xa2: {  	v18 =	vperm.xlane v16, v6;
	_ =	sdelay $0x1  }
0xa3: {  	v16 =	vmax.f32 v16, v18  }
0xa4: {  	vm1 =	veq.f32 v9, v16  }
0xa5: {  	v9 =	vmctz.xlane vm1;
	_ =	sdelay $0x1  }
0xa6: {  	vm1 =	veq.f32 v10, v16;
	vm2 =	vlt.s32 v9, $0x10000  }
0xa7: {  	v10 =	vmctz.xlane vm1;
	vm1 =	vlt.s32 v9, $0x10;
	v9 =	vnsel vm2, $0x10000, v9  }
0xa8: {  	v9 =	vnsel vm1, $0x10000, v9;
	vm1 =	veq.f32 v11, v16  }
0xa9: {  	v52 =	vadd.s32 $0x10, v10;
	v11 =	vmctz.xlane vm1  }
0xaa: {  	vm3 =	veq.f32 v12, v16;
	vm2 =	vlt.s32 v9, v52;
	vm1 =	vlt.s32 v10, $0x10  }
0xab: {  	v10 =	vsel vm2, v9, v52;
	vm2 =	vlt.s32 v11, $0x10;
	v11 =	vadd.s32 $0x20, v11  }
0xac: {  	v9 =	vsel vm1, v10, v9;
	v10 =	vnsel vm2, $0x10000, v11;
	v11 =	vmctz.xlane vm3  }
0xad: {  	vm3 =	veq.f32 v13, v16  }
0xae: {  	vm1 =	vlt.s32 v9, v10;
	vm2 =	vlt.s32 v11, $0x10;
	v11 =	vadd.s32 $0x30, v11  }
0xaf: {  	v9 =	vsel vm1, v9, v10;
	v10 =	vnsel vm2, $0x10000, v11;
	v11 =	vmctz.xlane vm3  }
0xb0: {  	vm3 =	veq.f32 v14, v16  }
0xb1: {  	vm1 =	vlt.s32 v9, v10;
	vm2 =	vlt.s32 v11, $0x10;
	v11 =	vadd.s32 $0x40, v11  }
0xb2: {  	v9 =	vsel vm1, v9, v10;
	v10 =	vnsel vm2, $0x10000, v11;
	v11 =	vmctz.xlane vm3  }
0xb3: {  	vm3 =	veq.f32 v15, v16  }
0xb4: {  	vm1 =	vlt.s32 v9, v10;
	vm2 =	vlt.s32 v11, $0x10;
	v11 =	vadd.s32 $0x50, v11  }
0xb5: {  	v9 =	vsel vm1, v9, v10;
	v10 =	vnsel vm2, $0x10000, v11;
	v11 =	vmctz.xlane vm3  }
0xb6: {  	vm2 =	veq.f32 v17, v16;
	vm1 =	vlt.s32 v9, v10  }
0xb7: {  	v53 =	vmctz.xlane vm2;
	vm2 =	vlt.s32 v11, $0x10;
	v11 =	vadd.s32 $0x60, v11  }
0xb8: {  	v9 =	vsel vm1, v9, v10;
	v10 =	vnsel vm2, $0x10000, v11  }
0xb9: {  	vm2 =	vlt.s32 v53, $0x10;
	v11 =	vadd.s32 $0x70, v53;
	vm1 =	vlt.s32 v9, v10  }
0xba: {  	v9 =	vsel vm1, v9, v10;
	v10 =	vnsel vm2, $0x10000, v11  }
0xbb: {  	vm1 =	vlt.s32 v9, v10  }
0xbc: {  	v9 =	vsel vm1, v9, v10  }
0xbd: {  	v10 =	vadd.s32 v2, v9;
	_ =	sdelay $0x4  }
0xbe: {  	v10 =	vld.idx.msk [tilespmem:v10+s14+$0x0], $0xffff;
	_ =	sdelay $0x4  }
0xbf: {  	vm1 =	veq.f32 v10, v16  }
0xc0: {  	v11 =	vmctz.xlane vm1  }
0xc1: {  	v54 =	vshll.u32 v9, $0x8  }
0xc2: {  	v12 =	vadd.s32 v11, v54  }
0xc3: {  	v55 =	vadd.s32 v7, v12;
	_ =	sdelay $0x4  }
0xc4: {  	v13 =	vld.idx.msk [tilespmem:v55+s5+$0x0], $0xffff;
	_ =	sdelay $0x4  }
0xc5: {  	vm1 =	veq.f32 v13, v16  }
0xc6: {  	v56 =	vmctz.xlane vm1;
	_ =	sdelay $0x1  }
0xc7: {  	vm1 =	veq.s32 v56, v0  }
0xc8: {  	v13 =	vsel vm1, $0xBF800000, v13  }
0xc9: {  	v57 =	vperm.xlane v13, v3;
	_ =	sdelay $0x1  }
0xca: {  	v13 =	vmax.f32 v13, v57  }
0xcb: {  	v15 =	vperm.xlane v13, v4;
	_ =	sdelay $0x1  }
0xcc: {  	v13 =	vmax.f32 v13, v15  }
0xcd: {  	v15 =	vperm.xlane v13, v5;
	_ =	sdelay $0x1  }
0xce: {  	v13 =	vmax.f32 v13, v15  }
0xcf: {  	v15 =	vperm.xlane v13, v6;
	_ =	sdelay $0x1  }
0xd0: {  	vm1 =	veq.s32 v11, v0;
	v13 =	vmax.f32 v13, v15  }
0xd1: {  	v10 =	vsel vm1, v13, v10  }
0xd2: {  	v58 =	vperm.xlane v10, v3  }
0xd3: {  	v59 =	vmov s1  }
0xd4: {  	v10 =	vmax.f32 v10, v58  }
0xd5: {  	v60 =	vor.u32 s4, v0;
	v14 =	vshll.u32 v56, $0x4;
	v61 =	vperm.xlane v10, v4  }
0xd6: {  	v12 =	vadd.s32 v14, v12  }
0xd7: {  	v11 =	vshll.u32 v11, $0x7;
	v14 =	vadd.s32 $0xFFFFF99A, v12;
	v10 =	vmax.f32 v10, v61  }
0xd8: {  	[tilespmem:v59+s15+$0x0] =	vst.idx.msk $0x1, v12;
	v11 =	vadd.s32 v11, v9;
	vm1 =	vlt.u32 v14, $0x666;
	v62 =	vperm.xlane v10, v5  }
0xd9: {  	p1 =	sne.s32 s1, $0x1F;
	[tilespmem:v59+s16+$0x0] =	vst.idx.msk $0x1, v16;
	v63 =	vsel vm1, $0x0, v16;
	vm1 =	vlt.s32 v12, $0x666  }
.Ltmp3:
0xda: {  	v16 =	vsel vm1, $0x0, v16;
	[tilespmem:v60+s17+$0x0] =	vst.idx.msk $0xffff, v63;
	v10 =	vmax.f32 v10, v62;
	(pc) =	sbr.rel @p1 .LBB2_9-.Ltmp3, $4  }
0xdb: {  	[tilespmem:v60+s18+$0x0] =	vst.idx.msk $0xffff, v16;
	v14 =	vperm.xlane v10, v6  }
0xdc: {  	[tilespmem:v12+s5+$0x0] =	vst.idx.msk $0x1, v8  }
0xdd: {  	[tilespmem:v11+s14+$0x0] =	vst.idx.msk $0x1, v13;
	v10 =	vmax.f32 v10, v14  }
0xde: {  	s4 =	sadd.s32 $0x10, s4;
	s1 =	sadd.s32 $0x1, s1;
	[tilespmem:v9+s19+$0x0] =	vst.idx.msk $0x1, v10  }
0xdf: {  	v9 =	vld [tilespmem:$0x1D480];
	_ =	sdelay $0x4  }
0xe0: {  	v9 =	vmul.u32 $0x600, v9;
	_ =	sdelay $0x1  }
0xe1: {  	v9 =	vperm.xlane v9, v0;
	_ =	sdelay $0x4  }
0xe2: {  	s1 =	simm.s32 $0x0  }
0xe3: {  	[tilespmem:s20], [sflag:$0x2] =	stream.indirect_vreg.gather [hbm4b:s0+s1], $0x600, v9, vm0, $0x38;
	[tilespmem:$0x1D980] =	vst v63  }
0xe4: {  	v9 =	vld [tilespmem:$0x1D490];
	_ =	sdelay $0x4  }
0xe5: {  	v9 =	vmul.u32 $0x600, v9;
	_ =	sdelay $0x1  }
0xe6: {  	v9 =	vperm.xlane v9, v0;
	_ =	sdelay $0x5  }
0xe7: {  	[tilespmem:s21], [sflag:$0x2] =	stream.indirect_vreg.gather [hbm4b:s0+s1], $0x600, v9, vm0, $0x38;
	[tilespmem:$0x1D980] =	vst v63  }
0xe8: {  	_ =	swait.ge [sflag:s12], $0xC000  }
0xe9: {  	[sflag:s12] =	ssyncset.done $0x0  }
0xea: {  	[sflag:s12] =	ssyncadd.s32 $0xFFFF4000  }
0xeb: {  	v9 =	vld [tilespmem:$0x1D480]  }
0xec: {  	v10 =	vld [tilespmem:$0x1D490];
	_ =	sdelay $0x1  }
0xed: {  	v11 =	vld [tilespmem:$0x1D500]  }
0xee: {  	v12 =	vld [tilespmem:$0x1D510];
	_ =	sdelay $0x3  }
0xef: {  	s2 =	rddreg [dreg:$0x3];
	[tilespmem:v9+s22+$0x0] =	vst.idx.msk $0xffff, v11  }
0xf0: {  	s2 =	sadd.s32 s2, s29;
	[tilespmem:v10+s22+$0x0] =	vst.idx.msk $0xffff, v12  }
0xf1: {  	[hbm4b:s2+s23] =	stream.strided.scatter [tilespmem:s22], [sflag:$0x1], $0x8000, s13, s23, $0x38;
	[tilespmem:$0x1D980] =	vst v63  }
0xf2: {  	v42 =	vld [tilespmem:$0x1D580]  }
0xf3: {  	v41 =	vld [tilespmem:$0x1D590]  }
0xf4: {  	v40 =	vld [tilespmem:$0x1D5A0]  }
0xf5: {  	v39 =	vld [tilespmem:$0x1D5B0]  }
0xf6: {  	v38 =	vld [tilespmem:$0x1D5C0]  }
0xf7: {  	v37 =	vld [tilespmem:$0x1D5D0]  }
0xf8: {  	v36 =	vld [tilespmem:$0x1D5E0]  }
0xf9: {  	v35 =	vld [tilespmem:$0x1D5F0]  }
0xfa: {  	v34 =	vld [tilespmem:$0x1D600]  }
0xfb: {  	v33 =	vld [tilespmem:$0x1D610]  }
0xfc: {  	v32 =	vld [tilespmem:$0x1D620]  }
0xfd: {  	v31 =	vld [tilespmem:$0x1D630]  }
0xfe: {  	v30 =	vld [tilespmem:$0x1D640]  }
0xff: {  	v29 =	vld [tilespmem:$0x1D650]  }
0x100: {  	v28 =	vld [tilespmem:$0x1D660]  }
0x101: {  	v27 =	vld [tilespmem:$0x1D670]  }
0x102: {  	v26 =	vld [tilespmem:$0x1D780]  }
0x103: {  	v25 =	vld [tilespmem:$0x1D790]  }
0x104: {  	v24 =	vld [tilespmem:$0x1D7A0]  }
0x105: {  	v23 =	vld [tilespmem:$0x1D7B0]  }
0x106: {  	v22 =	vld [tilespmem:$0x1D7C0]  }
0x107: {  	v21 =	vld [tilespmem:$0x1D7D0]  }
0x108: {  	v20 =	vld [tilespmem:$0x1D7E0]  }
0x109: {  	v17 =	vld [tilespmem:$0x1D7F0]  }
0x10a: {  	s30 =	sand.u32 $0x700, s1;
	s29 =	sand.u32 $0x70, s1;
	v12 =	vld [tilespmem:$0x1D800]  }
0x10b: {  	s11 =	sor.u32 s29, s30;
	v11 =	vld [tilespmem:$0x1D810]  }
0x10c: {  	v14 =	vld [tilespmem:s11+$0x10880]  }
0x10d: {  	v16 =	vld [tilespmem:s11+$0x1CE80]  }
0x10e: {  	v18 =	vld [tilespmem:s11+$0x10E80]  }
0x10f: {  	v15 =	vld [tilespmem:$0x1D820]  }
0x110: {  	v19 =	vld [tilespmem:s11+$0x11480]  }
0x111: {  	v13 =	vld [tilespmem:$0x1D830];
	v43 =	vmul.f32 v14, v42  }
0x112: {  	v44 =	vld [tilespmem:s11+$0x11A80]  }
0x113: {  	v45 =	vld [tilespmem:s11+$0x12080];
	v18 =	vmul.f32 v18, v41;
	v43 =	vadd.f32 v43, v16  }
0x114: {  	v46 =	vld [tilespmem:s11+$0x12680]  }
0x115: {  	v47 =	vld [tilespmem:s11+$0x12C80];
	v19 =	vmul.f32 v19, v40;
	v43 =	vadd.f32 v18, v43  }
0x116: {  	s10 =	simm.s32 $0x10;
	s25 =	simm.s32 $0x20;
	v54 =	vld [tilespmem:s11+$0x13280]  }
0x117: {  	s31 =	sand.u32 $0x70, s10;
	s4 =	sand.u32 $0x700, s25;
	v56 =	vld [tilespmem:s11+$0x13E80];
	v44 =	vmul.f32 v44, v39;
	v43 =	vadd.f32 v19, v43  }
0x118: {  	s1 =	sor.u32 s31, s4;
	v48 =	vld [tilespmem:s11+$0x13880]  }
0x119: {  	v49 =	vld [tilespmem:s1+$0x10880];
	v53 =	vmul.f32 v45, v38;
	v43 =	vadd.f32 v44, v43  }
0x11a: {  	v58 =	vld [tilespmem:s1+$0x1CE80]  }
0x11b: {  	v50 =	vld [tilespmem:s1+$0x10E80];
	v55 =	vmul.f32 v46, v37;
	v43 =	vadd.f32 v53, v43  }
0x11c: {  	v60 =	vld [tilespmem:s11+$0x14480]  }
0x11d: {  	v51 =	vld [tilespmem:s1+$0x11480];
	v57 =	vmul.f32 v47, v36;
	v43 =	vadd.f32 v55, v43  }
0x11e: {  	v63 =	vld [tilespmem:s11+$0x14A80]  }
0x11f: {  	v52 =	vld [tilespmem:s1+$0x11A80];
	v59 =	vmul.f32 v54, v35;
	v43 =	vadd.f32 v57, v43  }
0x120: {  	v14 =	vld [tilespmem:$0x1D840]  }
0x121: {  	v61 =	vmul.f32 v48, v34;
	v46 =	vld [tilespmem:s11+$0x15C80];
	v43 =	vadd.f32 v59, v43  }
0x122: {  	v62 =	vmul.f32 v49, v42;
	v47 =	vld [tilespmem:s11+$0x16280]  }
0x123: {  	v16 =	vld [tilespmem:$0x1D850];
	v53 =	vmul.f32 v56, v33;
	v43 =	vadd.f32 v61, v43  }
0x124: {  	v54 =	vadd.f32 v62, v58;
	v56 =	vld [tilespmem:s11+$0x15080];
	v55 =	vmul.f32 v50, v41  }
0x125: {  	v58 =	vmul.f32 v60, v32;
	v57 =	vld [tilespmem:s1+$0x12080];
	v43 =	vadd.f32 v53, v43  }
0x126: {  	v60 =	vmul.f32 v51, v40;
	v59 =	vadd.f32 v55, v54;
	v61 =	vld [tilespmem:s11+$0x15680]  }
0x127: {  	v62 =	vmul.f32 v63, v31;
	v53 =	vld [tilespmem:s1+$0x12680];
	v43 =	vadd.f32 v58, v43  }
0x128: {  	v63 =	vmul.f32 v52, v39;
	v18 =	vld [tilespmem:$0x1D860];
	v45 =	vadd.f32 v60, v59  }
0x129: {  	v44 =	vld [tilespmem:s1+$0x12C80];
	v48 =	vmul.f32 v56, v30;
	v43 =	vadd.f32 v62, v43  }
0x12a: {  	v19 =	vld [tilespmem:$0x1D870];
	v50 =	vmul.f32 v57, v38;
	v52 =	vadd.f32 v63, v45  }
0x12b: {  	s6 =	simm.s32 $0x20;
	s10 =	simm.s32 $0x40;
	v45 =	vld [tilespmem:s1+$0x13280];
	v49 =	vmul.f32 v61, v29;
	v48 =	vadd.f32 v48, v43  }
0x12c: {  	s25 =	simm.s32 $0x30;
	s3 =	sand.u32 $0x700, s10;
	s2 =	sand.u32 $0x70, s6;
	v50 =	vadd.f32 v50, v52;
	v51 =	vmul.f32 v53, v37;
	v43 =	vld [tilespmem:s1+$0x13E80]  }
.LBB2_11:
0x12d: {  	p1 =	sne.s32 s25, $0x2F0;
	s2 =	sor.u32 s2, s3;
	v52 =	vld [tilespmem:s1+$0x13880];
	v48 =	vadd.f32 v49, v48;
	v46 =	vmul.f32 v46, v28  }
0x12e: {  	v49 =	vld [tilespmem:s2+$0x10880];
	v50 =	vadd.f32 v51, v50;
	v44 =	vmul.f32 v44, v36  }
0x12f: {  	v51 =	vld [tilespmem:s2+$0x1CE80];
	v46 =	vadd.f32 v46, v48;
	v47 =	vmul.f32 v47, v27  }
0x130: {  	v48 =	vld [tilespmem:s2+$0x10E80];
	v44 =	vadd.f32 v44, v50;
	v45 =	vmul.f32 v45, v35  }
0x131: {  	v50 =	vld [tilespmem:s1+$0x14480];
	v46 =	vadd.f32 v47, v46  }
0x132: {  	v47 =	vld [tilespmem:s2+$0x11480];
	v44 =	vadd.f32 v45, v44;
	v45 =	vmul.f32 v52, v34  }
0x133: {  	v49 =	vmul.f32 v49, v42;
	v52 =	vld [tilespmem:s1+$0x14A80];
	[tilespmem:s11+$0x1C880] =	vst v46;
	s11 =	smov.u32 s1;
	s1 =	smov.u32 s2  }
0x134: {  	v43 =	vmul.f32 v43, v33;
	v46 =	vld [tilespmem:s1+$0x11A80];
	v44 =	vadd.f32 v45, v44  }
0x135: {  	v45 =	vadd.f32 v49, v51;
	v48 =	vmul.f32 v48, v41;
	v49 =	vld [tilespmem:s11+$0x15080]  }
0x136: {  	v51 =	vld [tilespmem:s1+$0x12080];
	v43 =	vadd.f32 v43, v44;
	v44 =	vmul.f32 v50, v32  }
0x137: {  	v45 =	vadd.f32 v48, v45;
	v47 =	vmul.f32 v47, v40;
	v50 =	vld [tilespmem:s11+$0x15680]  }
0x138: {  	v53 =	vld [tilespmem:s1+$0x12680];
	v43 =	vadd.f32 v44, v43;
	v48 =	vmul.f32 v52, v31  }
.Ltmp4:
0x139: {  	v45 =	vadd.f32 v47, v45;
	v47 =	vmul.f32 v46, v39;
	v46 =	vld [tilespmem:s11+$0x15C80];
	(pc) =	sbr.rel @p1 .LBB2_11-.Ltmp4, $4  }
0x13a: {  	v44 =	vld [tilespmem:s1+$0x12C80];
	v43 =	vadd.f32 v48, v43;
	v48 =	vmul.f32 v49, v30  }
0x13b: {  	v52 =	vadd.f32 v47, v45;
	v51 =	vmul.f32 v51, v38;
	v47 =	vld [tilespmem:s11+$0x16280]  }
0x13c: {  	s10 =	sadd.s32 $0x20, s10;
	v45 =	vld [tilespmem:s1+$0x13280];
	v48 =	vadd.f32 v48, v43;
	v49 =	vmul.f32 v50, v29  }
0x13d: {  	s3 =	sand.u32 $0x700, s10;
	s2 =	sand.u32 $0x70, s25;
	s25 =	sadd.s32 $0x10, s25;
	v50 =	vadd.f32 v51, v52;
	v51 =	vmul.f32 v53, v37;
	v43 =	vld [tilespmem:s1+$0x13E80]  }
0x13e: {  	s10 =	sor.u32 s2, s3;
	v52 =	vld [tilespmem:s1+$0x13880];
	v48 =	vadd.f32 v49, v48;
	v46 =	vmul.f32 v46, v28  }
0x13f: {  	v63 =	vld [tilespmem:s10+$0x10880];
	v50 =	vadd.f32 v51, v50  }
0x140: {  	v44 =	vmul.f32 v44, v36;
	v56 =	vld [tilespmem:s10+$0x1CE80];
	v46 =	vadd.f32 v46, v48;
	v47 =	vmul.f32 v47, v27  }
0x141: {  	v57 =	vld [tilespmem:s10+$0x10E80]  }
0x142: {  	v58 =	vld [tilespmem:s1+$0x14480];
	v44 =	vadd.f32 v44, v50;
	v45 =	vmul.f32 v45, v35;
	v46 =	vadd.f32 v47, v46  }
0x143: {  	v59 =	vld [tilespmem:s10+$0x11480]  }
0x144: {  	v61 =	vld [tilespmem:s1+$0x14A80];
	v44 =	vadd.f32 v45, v44;
	v60 =	vmul.f32 v52, v34;
	v42 =	vmul.f32 v63, v42;
	[tilespmem:s11+$0x1C880] =	vst v46  }
0x145: {  	v43 =	vmul.f32 v43, v33;
	v46 =	vld [tilespmem:s10+$0x11A80]  }
0x146: {  	v41 =	vmul.f32 v57, v41;
	v44 =	vadd.f32 v60, v44;
	v62 =	vld [tilespmem:s1+$0x15080];
	v42 =	vadd.f32 v42, v56  }
0x147: {  	v49 =	vmul.f32 v58, v32;
	v63 =	vld [tilespmem:s10+$0x12080]  }
0x148: {  	v40 =	vmul.f32 v59, v40;
	v50 =	vld [tilespmem:s1+$0x15680];
	v43 =	vadd.f32 v43, v44;
	v41 =	vadd.f32 v41, v42  }
0x149: {  	v53 =	vmul.f32 v61, v31;
	v51 =	vld [tilespmem:s10+$0x12680]  }
0x14a: {  	v54 =	vld [tilespmem:s1+$0x15C80];
	v43 =	vadd.f32 v49, v43;
	v40 =	vadd.f32 v40, v41;
	v39 =	vmul.f32 v46, v39  }
0x14b: {  	v55 =	vld [tilespmem:s10+$0x12C80];
	v56 =	vmul.f32 v62, v30  }
0x14c: {  	v58 =	vld [tilespmem:s10+$0x13280];
	v38 =	vmul.f32 v63, v38;
	v43 =	vadd.f32 v53, v43;
	v39 =	vadd.f32 v39, v40  }
0x14d: {  	v57 =	vld [tilespmem:s1+$0x16280];
	v42 =	vmul.f32 v50, v29  }
0x14e: {  	v37 =	vmul.f32 v51, v37;
	v43 =	vadd.f32 v56, v43;
	v38 =	vadd.f32 v38, v39  }
0x14f: {  	v59 =	vld [tilespmem:s10+$0x13880];
	v41 =	vmul.f32 v54, v28  }
0x150: {  	v60 =	vmul.f32 v55, v36;
	v42 =	vadd.f32 v42, v43;
	v37 =	vadd.f32 v37, v38  }
0x151: {  	v61 =	vld [tilespmem:s10+$0x13E80];
	v62 =	vmul.f32 v58, v35  }
0x152: {  	v40 =	vmul.f32 v57, v27;
	v41 =	vadd.f32 v41, v42;
	v36 =	vadd.f32 v60, v37  }
0x153: {  	v63 =	vld [tilespmem:s10+$0x14480]  }
0x154: {  	v44 =	vmul.f32 v59, v34;
	v40 =	vadd.f32 v40, v41;
	v35 =	vadd.f32 v62, v36  }
0x155: {  	v45 =	vld [tilespmem:s10+$0x14A80]  }
0x156: {  	v46 =	vmul.f32 v61, v33;
	[tilespmem:s1+$0x1C880] =	vst v40;
	v34 =	vadd.f32 v44, v35  }
0x157: {  	v47 =	vld [tilespmem:s10+$0x15080]  }
0x158: {  	v48 =	vmul.f32 v63, v32;
	v33 =	vadd.f32 v46, v34  }
0x159: {  	v49 =	vld [tilespmem:s10+$0x15680]  }
0x15a: {  	v31 =	vmul.f32 v45, v31;
	v32 =	vadd.f32 v48, v33  }
0x15b: {  	v50 =	vld [tilespmem:s10+$0x15C80]  }
0x15c: {  	v30 =	vmul.f32 v47, v30;
	v31 =	vadd.f32 v31, v32  }
0x15d: {  	v51 =	vld [tilespmem:s10+$0x16280]  }
0x15e: {  	v29 =	vmul.f32 v49, v29;
	v30 =	vadd.f32 v30, v31;
	_ =	sdelay $0x1  }
0x15f: {  	v28 =	vmul.f32 v50, v28;
	v29 =	vadd.f32 v29, v30;
	_ =	sdelay $0x1  }
0x160: {  	v27 =	vmul.f32 v51, v27;
	v28 =	vadd.f32 v28, v29;
	_ =	sdelay $0x1  }
0x161: {  	v27 =	vadd.f32 v27, v28;
	_ =	sdelay $0x1  }
0x162: {  	s11 =	sor.u32 s30, s29;
	[tilespmem:s10+$0x1C880] =	vst v27  }
0x163: {  	v27 =	vld [tilespmem:s11+$0x10900]  }
0x164: {  	v28 =	vld [tilespmem:s11+$0x1CF00]  }
0x165: {  	v29 =	vld [tilespmem:s11+$0x10F00];
	_ =	sdelay $0x1  }
0x166: {  	v30 =	vld [tilespmem:s11+$0x11500]  }
0x167: {  	v27 =	vmul.f32 v27, v26  }
0x168: {  	v31 =	vld [tilespmem:s11+$0x11B00]  }
0x169: {  	v27 =	vadd.f32 v27, v28;
	v28 =	vmul.f32 v29, v25  }
0x16a: {  	v29 =	vld [tilespmem:s11+$0x12100]  }
0x16b: {  	v27 =	vadd.f32 v28, v27;
	v28 =	vmul.f32 v30, v24  }
0x16c: {  	v30 =	vld [tilespmem:s11+$0x12700]  }
0x16d: {  	v27 =	vadd.f32 v28, v27;
	v28 =	vmul.f32 v31, v23  }
0x16e: {  	v31 =	vld [tilespmem:s11+$0x12D00]  }
0x16f: {  	v27 =	vadd.f32 v28, v27;
	v28 =	vmul.f32 v29, v22  }
0x170: {  	v29 =	vld [tilespmem:s11+$0x13300]  }
0x171: {  	s1 =	sor.u32 s4, s31;
	v52 =	vld [tilespmem:s11+$0x13900];
	v27 =	vadd.f32 v28, v27;
	v28 =	vmul.f32 v30, v21  }
0x172: {  	v53 =	vld [tilespmem:s1+$0x10900]  }
0x173: {  	v54 =	vld [tilespmem:s1+$0x10F00];
	v27 =	vadd.f32 v28, v27;
	v28 =	vmul.f32 v31, v20  }
0x174: {  	v30 =	vld [tilespmem:s11+$0x13F00]  }
0x175: {  	v31 =	vld [tilespmem:s1+$0x1CF00];
	v27 =	vadd.f32 v28, v27;
	v28 =	vmul.f32 v29, v17  }
0x176: {  	v29 =	vld [tilespmem:s11+$0x14500]  }
0x177: {  	v55 =	vld [tilespmem:s1+$0x11500];
	v27 =	vadd.f32 v28, v27;
	v28 =	vmul.f32 v52, v12  }
0x178: {  	v57 =	vld [tilespmem:s11+$0x14B00];
	v56 =	vmul.f32 v53, v26  }
0x179: {  	v58 =	vld [tilespmem:s1+$0x11B00];
	v27 =	vadd.f32 v28, v27;
	v28 =	vmul.f32 v30, v11  }
0x17a: {  	v59 =	vld [tilespmem:s11+$0x15100];
	v30 =	vadd.f32 v56, v31;
	v31 =	vmul.f32 v54, v25  }
0x17b: {  	v60 =	vld [tilespmem:s1+$0x12100];
	v27 =	vadd.f32 v28, v27;
	v28 =	vmul.f32 v29, v15  }
0x17c: {  	v61 =	vld [tilespmem:s11+$0x15700];
	v29 =	vadd.f32 v31, v30;
	v30 =	vmul.f32 v55, v24  }
0x17d: {  	v62 =	vld [tilespmem:s1+$0x12700];
	v31 =	vmul.f32 v57, v13;
	v27 =	vadd.f32 v28, v27  }
0x17e: {  	v63 =	vmul.f32 v58, v23;
	v29 =	vadd.f32 v30, v29;
	v30 =	vld [tilespmem:s11+$0x15D00]  }
0x17f: {  	v32 =	vmul.f32 v59, v14;
	v28 =	vld [tilespmem:s1+$0x12D00];
	v27 =	vadd.f32 v31, v27  }
0x180: {  	v34 =	vmul.f32 v60, v22;
	v36 =	vadd.f32 v63, v29;
	v31 =	vld [tilespmem:s11+$0x16300]  }
0x181: {  	s4 =	simm.s32 $0x40;
	v33 =	vmul.f32 v61, v16;
	v29 =	vld [tilespmem:s1+$0x13300];
	v32 =	vadd.f32 v32, v27  }
0x182: {  	s2 =	sand.u32 $0x70, s6;
	s6 =	simm.s32 $0x30;
	s3 =	sand.u32 $0x700, s4;
	v35 =	vmul.f32 v62, v21;
	v34 =	vadd.f32 v34, v36;
	v27 =	vld [tilespmem:s1+$0x13F00]  }
.LBB2_13:
0x183: {  	p1 =	sne.s32 s6, $0x2F0;
	s2 =	sor.u32 s3, s2;
	v36 =	vld [tilespmem:s1+$0x13900];
	v32 =	vadd.f32 v33, v32;
	v30 =	vmul.f32 v30, v18  }
0x184: {  	v33 =	vld [tilespmem:s2+$0x10900];
	v34 =	vadd.f32 v35, v34;
	v28 =	vmul.f32 v28, v20  }
0x185: {  	v35 =	vld [tilespmem:s2+$0x1CF00];
	v30 =	vadd.f32 v30, v32;
	v31 =	vmul.f32 v31, v19  }
0x186: {  	v32 =	vld [tilespmem:s2+$0x10F00];
	v28 =	vadd.f32 v28, v34;
	v29 =	vmul.f32 v29, v17  }
0x187: {  	v34 =	vld [tilespmem:s1+$0x14500];
	v30 =	vadd.f32 v31, v30  }
0x188: {  	v31 =	vld [tilespmem:s2+$0x11500];
	v28 =	vadd.f32 v29, v28;
	v29 =	vmul.f32 v36, v12  }
0x189: {  	v33 =	vmul.f32 v33, v26;
	v36 =	vld [tilespmem:s1+$0x14B00];
	[tilespmem:s11+$0x1C900] =	vst v30;
	s11 =	smov.u32 s1;
	s1 =	smov.u32 s2  }
0x18a: {  	v27 =	vmul.f32 v27, v11;
	v30 =	vld [tilespmem:s1+$0x11B00];
	v28 =	vadd.f32 v29, v28  }
0x18b: {  	v29 =	vadd.f32 v33, v35;
	v32 =	vmul.f32 v32, v25;
	v33 =	vld [tilespmem:s11+$0x15100]  }
0x18c: {  	v35 =	vld [tilespmem:s1+$0x12100];
	v27 =	vadd.f32 v27, v28;
	v28 =	vmul.f32 v34, v15  }
0x18d: {  	v29 =	vadd.f32 v32, v29;
	v31 =	vmul.f32 v31, v24;
	v34 =	vld [tilespmem:s11+$0x15700]  }
0x18e: {  	v37 =	vld [tilespmem:s1+$0x12700];
	v27 =	vadd.f32 v28, v27;
	v32 =	vmul.f32 v36, v13  }
.Ltmp5:
0x18f: {  	v29 =	vadd.f32 v31, v29;
	v31 =	vmul.f32 v30, v23;
	v30 =	vld [tilespmem:s11+$0x15D00];
	(pc) =	sbr.rel @p1 .LBB2_13-.Ltmp5, $4  }
0x190: {  	v28 =	vld [tilespmem:s1+$0x12D00];
	v27 =	vadd.f32 v32, v27;
	v32 =	vmul.f32 v33, v14  }
0x191: {  	v36 =	vadd.f32 v31, v29;
	v35 =	vmul.f32 v35, v22;
	v31 =	vld [tilespmem:s11+$0x16300]  }
0x192: {  	s4 =	sadd.s32 $0x20, s4;
	v29 =	vld [tilespmem:s1+$0x13300];
	v32 =	vadd.f32 v32, v27;
	v33 =	vmul.f32 v34, v16  }
0x193: {  	s3 =	sand.u32 $0x700, s4;
	s2 =	sand.u32 $0x70, s6;
	s6 =	sadd.s32 $0x10, s6;
	v34 =	vadd.f32 v35, v36;
	v35 =	vmul.f32 v37, v21;
	v27 =	vld [tilespmem:s1+$0x13F00]  }
0x194: {  	s4 =	sor.u32 s3, s2;
	v36 =	vld [tilespmem:s1+$0x13900];
	v32 =	vadd.f32 v33, v32;
	v30 =	vmul.f32 v30, v18  }
0x195: {  	v58 =	vld [tilespmem:s4+$0x10900];
	v34 =	vadd.f32 v35, v34;
	v28 =	vmul.f32 v28, v20  }
0x196: {  	v59 =	vld [tilespmem:s4+$0x1CF00];
	v30 =	vadd.f32 v30, v32;
	v31 =	vmul.f32 v31, v19  }
0x197: {  	v60 =	vld [tilespmem:s4+$0x10F00];
	v28 =	vadd.f32 v28, v34;
	v29 =	vmul.f32 v29, v17  }
0x198: {  	v61 =	vld [tilespmem:s1+$0x14500];
	v30 =	vadd.f32 v31, v30  }
0x199: {  	v31 =	vld [tilespmem:s4+$0x11500];
	v28 =	vadd.f32 v29, v28;
	v29 =	vmul.f32 v36, v12  }
0x19a: {  	v62 =	vld [tilespmem:s1+$0x14B00];
	v26 =	vmul.f32 v58, v26;
	[tilespmem:s11+$0x1C900] =	vst v30  }
0x19b: {  	v27 =	vmul.f32 v27, v11;
	v30 =	vld [tilespmem:s4+$0x11B00];
	v28 =	vadd.f32 v29, v28  }
0x19c: {  	v25 =	vmul.f32 v60, v25;
	v29 =	vld [tilespmem:s1+$0x15100];
	v26 =	vadd.f32 v26, v59  }
0x19d: {  	v63 =	vld [tilespmem:s4+$0x12100];
	v27 =	vadd.f32 v27, v28;
	v28 =	vmul.f32 v61, v15  }
0x19e: {  	v24 =	vmul.f32 v31, v24;
	v25 =	vadd.f32 v25, v26;
	v26 =	vld [tilespmem:s1+$0x15700]  }
0x19f: {  	v31 =	vld [tilespmem:s4+$0x12700];
	v27 =	vadd.f32 v28, v27;
	v28 =	vmul.f32 v62, v13  }
0x1a0: {  	v24 =	vadd.f32 v24, v25;
	v23 =	vmul.f32 v30, v23;
	v25 =	vld [tilespmem:s1+$0x15D00]  }
0x1a1: {  	v30 =	vld [tilespmem:s4+$0x12D00];
	v27 =	vadd.f32 v28, v27;
	v28 =	vmul.f32 v29, v14  }
0x1a2: {  	v22 =	vmul.f32 v63, v22;
	v29 =	vld [tilespmem:s4+$0x13300];
	v23 =	vadd.f32 v23, v24  }
0x1a3: {  	v24 =	vld [tilespmem:s1+$0x16300];
	v27 =	vadd.f32 v28, v27;
	v26 =	vmul.f32 v26, v16  }
0x1a4: {  	v21 =	vmul.f32 v31, v21;
	v22 =	vadd.f32 v22, v23  }
0x1a5: {  	v23 =	vld [tilespmem:s4+$0x13900];
	v26 =	vadd.f32 v26, v27  }
0x1a6: {  	v25 =	vmul.f32 v25, v18;
	v20 =	vmul.f32 v30, v20;
	v21 =	vadd.f32 v21, v22  }
0x1a7: {  	v22 =	vld [tilespmem:s4+$0x13F00];
	v17 =	vmul.f32 v29, v17  }
0x1a8: {  	v25 =	vadd.f32 v25, v26;
	v24 =	vmul.f32 v24, v19;
	v20 =	vadd.f32 v20, v21  }
0x1a9: {  	v21 =	vld [tilespmem:s4+$0x14500]  }
0x1aa: {  	v24 =	vadd.f32 v24, v25;
	v12 =	vmul.f32 v23, v12;
	v17 =	vadd.f32 v17, v20  }
0x1ab: {  	v20 =	vld [tilespmem:s4+$0x14B00]  }
0x1ac: {  	[tilespmem:s1+$0x1C900] =	vst v24;
	v11 =	vmul.f32 v22, v11;
	v12 =	vadd.f32 v12, v17  }
0x1ad: {  	v17 =	vld [tilespmem:s4+$0x15100]  }
0x1ae: {  	v11 =	vadd.f32 v11, v12;
	v12 =	vmul.f32 v21, v15  }
0x1af: {  	v15 =	vld [tilespmem:s4+$0x15700]  }
0x1b0: {  	v11 =	vadd.f32 v12, v11;
	v12 =	vmul.f32 v20, v13  }
0x1b1: {  	v13 =	vld [tilespmem:s4+$0x15D00]  }
0x1b2: {  	v11 =	vadd.f32 v12, v11;
	v12 =	vmul.f32 v17, v14  }
0x1b3: {  	v14 =	vld [tilespmem:s4+$0x16300]  }
0x1b4: {  	v11 =	vadd.f32 v12, v11;
	v12 =	vmul.f32 v15, v16;
	_ =	sdelay $0x1  }
0x1b5: {  	v11 =	vadd.f32 v12, v11;
	v12 =	vmul.f32 v13, v18;
	_ =	sdelay $0x1  }
0x1b6: {  	v11 =	vadd.f32 v12, v11;
	v12 =	vmul.f32 v14, v19;
	_ =	sdelay $0x1  }
0x1b7: {  	v11 =	vadd.f32 v12, v11;
	_ =	sdelay $0x1  }
0x1b8: {  	[tilespmem:s4+$0x1C900] =	vst v11  }
0x1b9: {  	v42 =	vld [tilespmem:$0x1D680]  }
0x1ba: {  	v41 =	vld [tilespmem:$0x1D690]  }
0x1bb: {  	v40 =	vld [tilespmem:$0x1D6A0]  }
0x1bc: {  	v39 =	vld [tilespmem:$0x1D6B0]  }
0x1bd: {  	v38 =	vld [tilespmem:$0x1D6C0]  }
0x1be: {  	v37 =	vld [tilespmem:$0x1D6D0]  }
0x1bf: {  	v36 =	vld [tilespmem:$0x1D6E0]  }
0x1c0: {  	v35 =	vld [tilespmem:$0x1D6F0]  }
0x1c1: {  	v34 =	vld [tilespmem:$0x1D700]  }
0x1c2: {  	s30 =	simm.s32 $0x0;
	v32 =	vld [tilespmem:$0x1D710]  }
0x1c3: {  	s31 =	sand.u32 $0x70, s30;
	s1 =	sand.u32 $0x700, s30;
	v29 =	vld [tilespmem:$0x1D720]  }
0x1c4: {  	s29 =	sor.u32 s31, s1;
	v27 =	vld [tilespmem:$0x1D730]  }
0x1c5: {  	v11 =	vld [tilespmem:s29+$0x16880]  }
0x1c6: {  	v12 =	vld [tilespmem:s29+$0x16E80]  }
0x1c7: {  	v13 =	vld [tilespmem:s29+$0x1C880]  }
0x1c8: {  	v28 =	vld [tilespmem:$0x1D740]  }
0x1c9: {  	v14 =	vld [tilespmem:s29+$0x17480]  }
0x1ca: {  	v30 =	vld [tilespmem:$0x1D750];
	v11 =	vmul.f32 v11, v42  }
0x1cb: {  	v15 =	vld [tilespmem:s29+$0x17A80]  }
0x1cc: {  	v31 =	vld [tilespmem:$0x1D760];
	v12 =	vmul.f32 v12, v41;
	v13 =	vadd.f32 v11, v13  }
0x1cd: {  	v16 =	vld [tilespmem:s29+$0x18080]  }
0x1ce: {  	v33 =	vld [tilespmem:$0x1D770];
	v14 =	vmul.f32 v14, v40;
	v13 =	vadd.f32 v12, v13  }
0x1cf: {  	v17 =	vld [tilespmem:s29+$0x18680]  }
0x1d0: {  	v18 =	vld [tilespmem:s29+$0x18C80];
	v15 =	vmul.f32 v15, v39;
	v14 =	vadd.f32 v14, v13  }
0x1d1: {  	v19 =	vld [tilespmem:s29+$0x19280]  }
0x1d2: {  	v20 =	vld [tilespmem:s29+$0x19880];
	v16 =	vmul.f32 v16, v38;
	v15 =	vadd.f32 v15, v14  }
0x1d3: {  	v21 =	vld [tilespmem:s29+$0x19E80]  }
0x1d4: {  	v22 =	vld [tilespmem:s29+$0x1A480];
	v17 =	vmul.f32 v17, v37;
	v16 =	vadd.f32 v16, v15  }
0x1d5: {  	v25 =	vld [tilespmem:s29+$0x1B680]  }
0x1d6: {  	v26 =	vld [tilespmem:s29+$0x1BC80];
	v18 =	vmul.f32 v18, v36;
	v17 =	vadd.f32 v17, v16  }
0x1d7: {  	v23 =	vld [tilespmem:s29+$0x1AA80]  }
0x1d8: {  	v24 =	vld [tilespmem:s29+$0x1B080];
	v19 =	vmul.f32 v19, v35;
	v18 =	vadd.f32 v18, v17  }
0x1d9: {  	v44 =	vld [tilespmem:s29+$0x1C280]  }
0x1da: {  	v20 =	vmul.f32 v20, v34;
	v43 =	vmul.f32 v25, v30;
	v25 =	vld [tilespmem:$0x1D940];
	v19 =	vadd.f32 v19, v18  }
0x1db: {  	v45 =	vmul.f32 v26, v31;
	v26 =	vld [tilespmem:$0x1D970]  }
0x1dc: {  	v21 =	vmul.f32 v21, v32;
	v11 =	vld [tilespmem:$0x1D880];
	v20 =	vadd.f32 v20, v19  }
0x1dd: {  	v12 =	vld [tilespmem:$0x1D890]  }
0x1de: {  	v22 =	vmul.f32 v22, v29;
	v13 =	vld [tilespmem:$0x1D8A0];
	v21 =	vadd.f32 v21, v20  }
0x1df: {  	v14 =	vld [tilespmem:$0x1D8B0]  }
0x1e0: {  	v23 =	vmul.f32 v23, v27;
	v15 =	vld [tilespmem:$0x1D8C0];
	v21 =	vadd.f32 v22, v21  }
0x1e1: {  	v16 =	vld [tilespmem:$0x1D8D0]  }
0x1e2: {  	v17 =	vld [tilespmem:$0x1D8E0];
	v21 =	vadd.f32 v23, v21;
	v23 =	vmul.f32 v24, v28  }
0x1e3: {  	v18 =	vld [tilespmem:$0x1D8F0]  }
0x1e4: {  	v19 =	vld [tilespmem:$0x1D900];
	v23 =	vadd.f32 v23, v21  }
0x1e5: {  	v20 =	vld [tilespmem:$0x1D910]  }
0x1e6: {  	v22 =	vld [tilespmem:$0x1D920];
	v43 =	vadd.f32 v43, v23  }
0x1e7: {  	v24 =	vld [tilespmem:$0x1D930]  }
0x1e8: {  	s11 =	simm.s32 $0x20;
	s1 =	simm.s32 $0x20;
	s4 =	simm.s32 $0x10;
	v44 =	vmul.f32 v44, v33;
	v21 =	vld [tilespmem:$0x1D950];
	v43 =	vadd.f32 v45, v43  }
0x1e9: {  	s3 =	sand.u32 $0x700, s1;
	s6 =	smov.u32 s29;
	s2 =	sand.u32 $0x70, s4;
	v23 =	vld [tilespmem:$0x1D960]  }
.LBB2_15:
0x1ea: {  	p1 =	sne.s32 s11, $0x2F0;
	s2 =	sor.u32 s2, s3;
	v43 =	vadd.f32 v44, v43  }
0x1eb: {  	v44 =	vld [tilespmem:s2+$0x16880]  }
0x1ec: {  	v45 =	vld [tilespmem:s2+$0x16E80];
	[tilespmem:s6+$0x1C880] =	vst v43;
	s6 =	smov.u32 s2  }
0x1ed: {  	v43 =	vld [tilespmem:s6+$0x1C880];
	_ =	sdelay $0x1  }
0x1ee: {  	v46 =	vld [tilespmem:s6+$0x17480]  }
0x1ef: {  	v44 =	vmul.f32 v44, v42  }
0x1f0: {  	v47 =	vld [tilespmem:s6+$0x17A80]  }
0x1f1: {  	v43 =	vadd.f32 v44, v43;
	v44 =	vmul.f32 v45, v41  }
0x1f2: {  	v45 =	vld [tilespmem:s6+$0x18080]  }
0x1f3: {  	v43 =	vadd.f32 v44, v43;
	v44 =	vmul.f32 v46, v40  }
0x1f4: {  	v46 =	vld [tilespmem:s6+$0x18680]  }
0x1f5: {  	v43 =	vadd.f32 v44, v43;
	v44 =	vmul.f32 v47, v39  }
0x1f6: {  	v47 =	vld [tilespmem:s6+$0x18C80]  }
0x1f7: {  	v43 =	vadd.f32 v44, v43;
	v44 =	vmul.f32 v45, v38  }
0x1f8: {  	v45 =	vld [tilespmem:s6+$0x19280]  }
0x1f9: {  	v43 =	vadd.f32 v44, v43;
	v44 =	vmul.f32 v46, v37  }
0x1fa: {  	v46 =	vld [tilespmem:s6+$0x19880]  }
0x1fb: {  	v43 =	vadd.f32 v44, v43;
	v44 =	vmul.f32 v47, v36  }
0x1fc: {  	v47 =	vld [tilespmem:s6+$0x19E80]  }
0x1fd: {  	v43 =	vadd.f32 v44, v43;
	v44 =	vmul.f32 v45, v35  }
0x1fe: {  	v45 =	vld [tilespmem:s6+$0x1A480]  }
0x1ff: {  	v43 =	vadd.f32 v44, v43;
	v44 =	vmul.f32 v46, v34  }
0x200: {  	v46 =	vld [tilespmem:s6+$0x1AA80]  }
0x201: {  	v43 =	vadd.f32 v44, v43;
	v44 =	vmul.f32 v47, v32  }
0x202: {  	v47 =	vld [tilespmem:s6+$0x1B080]  }
0x203: {  	v43 =	vadd.f32 v44, v43;
	v44 =	vmul.f32 v45, v29  }
0x204: {  	v45 =	vld [tilespmem:s6+$0x1B680]  }
0x205: {  	v43 =	vadd.f32 v44, v43;
	v44 =	vmul.f32 v46, v27  }
0x206: {  	v46 =	vld [tilespmem:s6+$0x1BC80]  }
0x207: {  	v43 =	vadd.f32 v44, v43;
	v44 =	vmul.f32 v47, v28  }
0x208: {  	v47 =	vld [tilespmem:s6+$0x1C280]  }
0x209: {  	v43 =	vadd.f32 v44, v43;
	v44 =	vmul.f32 v45, v30  }
.Ltmp6:
0x20a: {  	(pc) =	sbr.rel @p1 .LBB2_15-.Ltmp6, $3  }
0x20b: {  	v43 =	vadd.f32 v44, v43;
	v44 =	vmul.f32 v46, v31;
	_ =	sdelay $0x1  }
0x20c: {  	s1 =	sadd.s32 $0x20, s1;
	v43 =	vadd.f32 v44, v43;
	v44 =	vmul.f32 v47, v33  }
0x20d: {  	s3 =	sand.u32 $0x700, s1;
	s2 =	sand.u32 $0x70, s11;
	s11 =	sadd.s32 $0x10, s11  }
0x20e: {  	s1 =	sor.u32 s2, s3;
	v43 =	vadd.f32 v44, v43  }
0x20f: {  	v51 =	vld [tilespmem:s1+$0x16880]  }
0x210: {  	v45 =	vld [tilespmem:s1+$0x16E80];
	[tilespmem:s6+$0x1C880] =	vst v43  }
0x211: {  	v43 =	vld [tilespmem:s1+$0x1C880];
	_ =	sdelay $0x1  }
0x212: {  	v46 =	vld [tilespmem:s1+$0x17480]  }
0x213: {  	v42 =	vmul.f32 v51, v42  }
0x214: {  	v52 =	vld [tilespmem:s1+$0x17A80]  }
0x215: {  	v41 =	vmul.f32 v45, v41;
	v42 =	vadd.f32 v42, v43  }
0x216: {  	v53 =	vld [tilespmem:s1+$0x18080]  }
0x217: {  	v40 =	vmul.f32 v46, v40;
	v41 =	vadd.f32 v41, v42  }
0x218: {  	v54 =	vld [tilespmem:s1+$0x18680]  }
0x219: {  	v39 =	vmul.f32 v52, v39;
	v40 =	vadd.f32 v40, v41  }
0x21a: {  	v55 =	vld [tilespmem:s1+$0x18C80]  }
0x21b: {  	v38 =	vmul.f32 v53, v38;
	v39 =	vadd.f32 v39, v40  }
0x21c: {  	v56 =	vld [tilespmem:s1+$0x19280]  }
0x21d: {  	v37 =	vmul.f32 v54, v37;
	v38 =	vadd.f32 v38, v39  }
0x21e: {  	v57 =	vld [tilespmem:s1+$0x19880]  }
0x21f: {  	v36 =	vmul.f32 v55, v36;
	v37 =	vadd.f32 v37, v38  }
0x220: {  	v58 =	vld [tilespmem:s1+$0x19E80]  }
0x221: {  	v35 =	vmul.f32 v56, v35;
	v36 =	vadd.f32 v36, v37  }
0x222: {  	v59 =	vld [tilespmem:s1+$0x1A480]  }
0x223: {  	v34 =	vmul.f32 v57, v34;
	v35 =	vadd.f32 v35, v36  }
0x224: {  	v60 =	vld [tilespmem:s1+$0x1AA80]  }
0x225: {  	v32 =	vmul.f32 v58, v32;
	v34 =	vadd.f32 v34, v35  }
0x226: {  	v61 =	vld [tilespmem:s1+$0x1B080]  }
0x227: {  	v29 =	vmul.f32 v59, v29;
	v32 =	vadd.f32 v32, v34  }
0x228: {  	v62 =	vld [tilespmem:s1+$0x1B680]  }
0x229: {  	v27 =	vmul.f32 v60, v27;
	v29 =	vadd.f32 v29, v32  }
0x22a: {  	v63 =	vld [tilespmem:s1+$0x1BC80]  }
0x22b: {  	v28 =	vmul.f32 v61, v28;
	v27 =	vadd.f32 v27, v29  }
0x22c: {  	v29 =	vld [tilespmem:s1+$0x1C280]  }
0x22d: {  	v27 =	vadd.f32 v28, v27;
	v28 =	vmul.f32 v62, v30;
	_ =	sdelay $0x1  }
0x22e: {  	v27 =	vadd.f32 v28, v27;
	v28 =	vmul.f32 v63, v31;
	_ =	sdelay $0x1  }
0x22f: {  	v27 =	vadd.f32 v28, v27;
	v28 =	vmul.f32 v29, v33;
	_ =	sdelay $0x1  }
0x230: {  	v27 =	vadd.f32 v28, v27;
	_ =	sdelay $0x1  }
0x231: {  	[tilespmem:s1+$0x1C880] =	vst v27  }
0x232: {  	v27 =	vld [tilespmem:s29+$0x16900]  }
0x233: {  	v28 =	vld [tilespmem:s29+$0x16F00]  }
0x234: {  	v29 =	vld [tilespmem:s29+$0x1C900];
	_ =	sdelay $0x1  }
0x235: {  	v30 =	vld [tilespmem:s29+$0x17500]  }
0x236: {  	v27 =	vmul.f32 v27, v11  }
0x237: {  	v31 =	vld [tilespmem:s29+$0x17B00]  }
0x238: {  	v28 =	vmul.f32 v28, v12;
	v27 =	vadd.f32 v27, v29  }
0x239: {  	v29 =	vld [tilespmem:s29+$0x18100]  }
0x23a: {  	v27 =	vadd.f32 v28, v27;
	v28 =	vmul.f32 v30, v13  }
0x23b: {  	v30 =	vld [tilespmem:s29+$0x18700]  }
0x23c: {  	v27 =	vadd.f32 v28, v27;
	v28 =	vmul.f32 v31, v14  }
0x23d: {  	v31 =	vld [tilespmem:s29+$0x18D00]  }
0x23e: {  	v27 =	vadd.f32 v28, v27;
	v28 =	vmul.f32 v29, v15  }
0x23f: {  	v29 =	vld [tilespmem:s29+$0x19300]  }
0x240: {  	v27 =	vadd.f32 v28, v27;
	v28 =	vmul.f32 v30, v16  }
0x241: {  	v30 =	vld [tilespmem:s29+$0x19900]  }
0x242: {  	v27 =	vadd.f32 v28, v27;
	v28 =	vmul.f32 v31, v17  }
0x243: {  	v31 =	vld [tilespmem:s29+$0x19F00]  }
0x244: {  	v27 =	vadd.f32 v28, v27;
	v28 =	vmul.f32 v29, v18  }
0x245: {  	v29 =	vld [tilespmem:s29+$0x1A500]  }
0x246: {  	v27 =	vadd.f32 v28, v27;
	v28 =	vmul.f32 v30, v19  }
0x247: {  	v30 =	vld [tilespmem:s29+$0x1AB00]  }
0x248: {  	v27 =	vadd.f32 v28, v27;
	v28 =	vmul.f32 v31, v20  }
0x249: {  	v31 =	vld [tilespmem:s29+$0x1B100]  }
0x24a: {  	v27 =	vadd.f32 v28, v27;
	v28 =	vmul.f32 v29, v22  }
0x24b: {  	v29 =	vld [tilespmem:s29+$0x1B700]  }
0x24c: {  	v27 =	vadd.f32 v28, v27;
	v28 =	vmul.f32 v30, v24  }
0x24d: {  	v30 =	vld [tilespmem:s29+$0x1BD00]  }
0x24e: {  	v27 =	vadd.f32 v28, v27;
	v28 =	vmul.f32 v31, v25  }
0x24f: {  	v31 =	vld [tilespmem:s29+$0x1C300]  }
0x250: {  	v27 =	vadd.f32 v28, v27;
	v28 =	vmul.f32 v29, v21;
	_ =	sdelay $0x1  }
0x251: {  	v27 =	vadd.f32 v28, v27;
	v28 =	vmul.f32 v30, v23;
	_ =	sdelay $0x1  }
0x252: {  	s1 =	simm.s32 $0x20;
	v27 =	vadd.f32 v28, v27;
	v28 =	vmul.f32 v31, v26  }
0x253: {  	s2 =	sand.u32 $0x70, s4;
	s4 =	simm.s32 $0x20;
	s3 =	sand.u32 $0x700, s1  }
.LBB2_17:
0x254: {  	p1 =	sne.s32 s4, $0x2F0;
	s2 =	sor.u32 s2, s3;
	v27 =	vadd.f32 v28, v27  }
0x255: {  	v28 =	vld [tilespmem:s2+$0x16900]  }
0x256: {  	v29 =	vld [tilespmem:s2+$0x16F00];
	[tilespmem:s29+$0x1C900] =	vst v27;
	s29 =	smov.u32 s2  }
0x257: {  	v27 =	vld [tilespmem:s29+$0x1C900];
	_ =	sdelay $0x1  }
0x258: {  	v30 =	vld [tilespmem:s29+$0x17500]  }
0x259: {  	v28 =	vmul.f32 v28, v11  }
0x25a: {  	v31 =	vld [tilespmem:s29+$0x17B00]  }
0x25b: {  	v27 =	vadd.f32 v28, v27;
	v28 =	vmul.f32 v29, v12  }
0x25c: {  	v29 =	vld [tilespmem:s29+$0x18100]  }
0x25d: {  	v27 =	vadd.f32 v28, v27;
	v28 =	vmul.f32 v30, v13  }
0x25e: {  	v30 =	vld [tilespmem:s29+$0x18700]  }
0x25f: {  	v27 =	vadd.f32 v28, v27;
	v28 =	vmul.f32 v31, v14  }
0x260: {  	v31 =	vld [tilespmem:s29+$0x18D00]  }
0x261: {  	v27 =	vadd.f32 v28, v27;
	v28 =	vmul.f32 v29, v15  }
0x262: {  	v29 =	vld [tilespmem:s29+$0x19300]  }
0x263: {  	v27 =	vadd.f32 v28, v27;
	v28 =	vmul.f32 v30, v16  }
0x264: {  	v30 =	vld [tilespmem:s29+$0x19900]  }
0x265: {  	v27 =	vadd.f32 v28, v27;
	v28 =	vmul.f32 v31, v17  }
0x266: {  	v31 =	vld [tilespmem:s29+$0x19F00]  }
0x267: {  	v27 =	vadd.f32 v28, v27;
	v28 =	vmul.f32 v29, v18  }
0x268: {  	v29 =	vld [tilespmem:s29+$0x1A500]  }
0x269: {  	v27 =	vadd.f32 v28, v27;
	v28 =	vmul.f32 v30, v19  }
0x26a: {  	v30 =	vld [tilespmem:s29+$0x1AB00]  }
0x26b: {  	v27 =	vadd.f32 v28, v27;
	v28 =	vmul.f32 v31, v20  }
0x26c: {  	v31 =	vld [tilespmem:s29+$0x1B100]  }
0x26d: {  	v27 =	vadd.f32 v28, v27;
	v28 =	vmul.f32 v29, v22  }
0x26e: {  	v29 =	vld [tilespmem:s29+$0x1B700]  }
0x26f: {  	v27 =	vadd.f32 v28, v27;
	v28 =	vmul.f32 v30, v24  }
0x270: {  	v30 =	vld [tilespmem:s29+$0x1BD00]  }
0x271: {  	v27 =	vadd.f32 v28, v27;
	v28 =	vmul.f32 v31, v25  }
0x272: {  	v31 =	vld [tilespmem:s29+$0x1C300]  }
0x273: {  	v27 =	vadd.f32 v28, v27;
	v28 =	vmul.f32 v29, v21  }
.Ltmp7:
0x274: {  	(pc) =	sbr.rel @p1 .LBB2_17-.Ltmp7, $3  }
0x275: {  	v27 =	vadd.f32 v28, v27;
	v28 =	vmul.f32 v30, v23;
	_ =	sdelay $0x1  }
0x276: {  	s1 =	sadd.s32 $0x20, s1;
	v27 =	vadd.f32 v28, v27;
	v28 =	vmul.f32 v31, v26  }
0x277: {  	s3 =	sand.u32 $0x700, s1;
	s2 =	sand.u32 $0x70, s4;
	s4 =	sadd.s32 $0x10, s4  }
0x278: {  	s1 =	sor.u32 s2, s3;
	v27 =	vadd.f32 v28, v27  }
0x279: {  	v36 =	vld [tilespmem:s1+$0x16900]  }
0x27a: {  	v29 =	vld [tilespmem:s1+$0x16F00];
	[tilespmem:s29+$0x1C900] =	vst v27  }
0x27b: {  	v27 =	vld [tilespmem:s1+$0x1C900];
	_ =	sdelay $0x1  }
0x27c: {  	v30 =	vld [tilespmem:s1+$0x17500]  }
0x27d: {  	v11 =	vmul.f32 v36, v11  }
0x27e: {  	v37 =	vld [tilespmem:s1+$0x17B00]  }
0x27f: {  	v12 =	vmul.f32 v29, v12;
	v11 =	vadd.f32 v11, v27  }
0x280: {  	v38 =	vld [tilespmem:s1+$0x18100]  }
0x281: {  	v39 =	vmul.f32 v30, v13;
	v11 =	vadd.f32 v12, v11  }
0x282: {  	v40 =	vld [tilespmem:s1+$0x18700]  }
0x283: {  	v41 =	vmul.f32 v37, v14;
	v11 =	vadd.f32 v39, v11  }
0x284: {  	v42 =	vld [tilespmem:s1+$0x18D00]  }
0x285: {  	v43 =	vmul.f32 v38, v15;
	v11 =	vadd.f32 v41, v11  }
0x286: {  	v44 =	vld [tilespmem:s1+$0x19300]  }
0x287: {  	v45 =	vmul.f32 v40, v16;
	v11 =	vadd.f32 v43, v11  }
0x288: {  	v46 =	vld [tilespmem:s1+$0x19900]  }
0x289: {  	v47 =	vmul.f32 v42, v17;
	v11 =	vadd.f32 v45, v11  }
0x28a: {  	v48 =	vld [tilespmem:s1+$0x19F00]  }
0x28b: {  	v49 =	vmul.f32 v44, v18;
	v11 =	vadd.f32 v47, v11  }
0x28c: {  	v50 =	vld [tilespmem:s1+$0x1A500]  }
0x28d: {  	v51 =	vmul.f32 v46, v19;
	v11 =	vadd.f32 v49, v11  }
0x28e: {  	v52 =	vld [tilespmem:s1+$0x1AB00]  }
0x28f: {  	v53 =	vmul.f32 v48, v20;
	v11 =	vadd.f32 v51, v11  }
0x290: {  	v54 =	vld [tilespmem:s1+$0x1B100]  }
0x291: {  	v55 =	vmul.f32 v50, v22;
	v11 =	vadd.f32 v53, v11  }
0x292: {  	v56 =	vld [tilespmem:s1+$0x1B700]  }
0x293: {  	v57 =	vmul.f32 v52, v24;
	v11 =	vadd.f32 v55, v11  }
0x294: {  	v58 =	vld [tilespmem:s1+$0x1BD00]  }
0x295: {  	v59 =	vmul.f32 v54, v25;
	v11 =	vadd.f32 v57, v11  }
0x296: {  	v60 =	vld [tilespmem:s1+$0x1C300]  }
0x297: {  	v61 =	vmul.f32 v56, v21;
	v11 =	vadd.f32 v59, v11;
	_ =	sdelay $0x1  }
0x298: {  	v62 =	vmul.f32 v58, v23;
	v11 =	vadd.f32 v61, v11;
	_ =	sdelay $0x1  }
0x299: {  	v63 =	vmul.f32 v60, v26;
	v11 =	vadd.f32 v62, v11;
	_ =	sdelay $0x1  }
0x29a: {  	s30 =	smul.u32 $0xC0, s28;
	v11 =	vadd.f32 v63, v11  }
0x29b: {  	s31 =	rddreg [dreg:$0x4]  }
0x29c: {  	[tilespmem:s1+$0x1C900] =	vst v11;
	s1 =	sadd.s32 s31, s30  }
0x29d: {  	[hbm4b:s1+s5] =	stream.linear.scatter [tilespmem:s24], [sflag:$0x2], $0x600, $0x38;
	[tilespmem:$0x1D980] =	vst v63  }
0x29e: {  	_ =	swait.ge [sflag:s12], $0x600  }
0x29f: {  	[sflag:s12] =	ssyncset.done $0x0  }
0x2a0: {  	s1 =	simm.s32 $0x1;
	[sflag:s12] =	ssyncadd.s32 $0xFFFFFA00  }
.Ltmp8:
0x2a1: {  	_ =	swait.ge [sflag:s1], $0x8000;
	(pc) =	sbr.rel @p0 .LBB2_4-.Ltmp8, $4  }
0x2a2: {  	[sflag:s1] =	ssyncset.done $0x0  }
0x2a3: {  	[sflag:s1] =	ssyncadd.s32 $0xFFFF8000  }
0x2a4: {  	[tilespmem:v9+s22+$0x0] =	vst.idx.msk $0xffff, v1  }
0x2a5: {  	p1 =	por $0x0, $0x0;
	[tilespmem:v10+s22+$0x0] =	vst.idx.msk $0xffff, v1  }
0x2a6: {  	s2 =	rddreg [dreg:$0x7]  }
0x2a7: {  	s1 =	rddreg [dreg:$0x6];
	s2 =	sadd.s32 $0x1, s2  }
0x2a8: {  	p0 =	sne.s32 s2, s1  }
.Ltmp9:
0x2a9: {  	_ = 	snop;
	(pc) =	sbr.rel @p0 .LBB2_1-.Ltmp9, $1  }
0x2aa: {  	_ =	sdelay $0x3  }
0x2ab: {  	_ =	sfence.sel $0x180000  }
0x2ac: {  	[bflag:$0x0] =	sbarrier.arrive $0xFFFF  }
0x2ad: {  	_ =	strace $0x90000047  }
0x2ae: {  	s0 =	stileid.u32;
	[bflag:$0x2] =	sbarrier.arrive $0xFFFF  }
0x2af: {  	p0 =	sne.s32 s0, $0x0;
	s0 =	rddreg [dreg:$0x5]  }
0x2b0: {  	s0 =	sadd.s32 @!p0 $0x100000, s0  }
0x2b1: {  	[sflag:s0] =	ssyncadd.tile.s32 @!p0 $0x1;
	_ =	shalt  }
.Lfunc_end2:
_tile_overlayer_lowered:
.L_overlay_start_2:
0x2b2: {  	(tag) =	ssettag $0x2  }
0x2b3: {  	s0 =	rddreg [dreg:$0x0];
	s2 =	stileid.u32  }
0x2b4: {  	s1 =	rddreg [dreg:$0x1];
	p0 =	sne.s32 s2, $0x0  }
0x2b5: {  	s3 =	rddreg [dreg:$0x2];
	[bflag:$0x3] =	sbarrier.arrive $0xFFFF;
	s2 =	simm.s32 @!p0 $0x1C02  }
0x2b6: {  	[timem:s3], [sflag:s2] =	dma.local @!p0 [hbm:s0], s1  }
0x2b7: {  	s0 =	simm.s32 @!p0 $0x2  }
0x2b8: {  	_ =	swait.ge @!p0 [sflag:s0], s1  }
0x2b9: {  	s1 =	ssub.s32 @!p0 $0x0, s1;
	[sflag:s0] =	ssyncset.done @!p0 $0x0  }
0x2ba: {  	[sflag:s0] =	ssyncadd.s32 @!p0 s1  }
0x2bb: {  	[bflag:$0x3] =	sbarrier.arrive $0xFFFF  }
0x2bc: {  	_ =	shalt  }

</sc_bundles>
